<compile_context>
chip_gen: v7x
topology: tpu7x:2x2x1
jax: 0.10.2.dev20260603
libtpu: 0.0.44.dev20260713+nightly
codegen_flags: <defaults>
</compile_context>

<pallas_src>
import functools

import numpy as np
import jax
import jax.numpy as jnp
from jax import lax
from jax.experimental import pallas as pl
from jax.experimental.pallas import tpu as pltpu
from jax.experimental.pallas import tpu_sc as plsc

GRID = 200
XMIN, XMAX = -5.0, 5.0
DX = (XMAX - XMIN) / GRID
LOG_DXDY = float(np.log(DX) + np.log(DX))

NC, NS, L = 2, 16, 16
NW = NC * NS
B = 16384
BPW = B // NW
GCH = 128
NG = BPW // GCH

GP = 256
BLK = 2048
NBLK = B // BLK
BIGI = 1 << 30


def _grid_tables():
    xg = jnp.linspace(XMIN, XMAX, GRID)
    g2 = xg * xg
    bg = xg.astype(jnp.bfloat16).astype(jnp.float32)
    g2p = jnp.concatenate([g2, jnp.full((GP - GRID,), 1e30, jnp.float32)])
    bgp = jnp.concatenate([bg, jnp.zeros((GP - GRID,), jnp.float32)])
    return g2p.reshape(GP, 1), bgp.reshape(GP, 1)


def _first_true_idx(mask, iota):
    return jnp.min(jnp.where(mask, iota, BIGI), axis=0, keepdims=True)


def _tc_ids(tb_t, g2p, bgp):

    def body(tb_ref, g2_ref, bg_ref, o_ref):
        x = tb_ref[0, :][None, :]
        y = tb_ref[1, :][None, :]
        xb = x.astype(jnp.bfloat16).astype(jnp.float32)
        yb = y.astype(jnp.bfloat16).astype(jnp.float32)
        an = x * x + y * y
        g2 = g2_ref[...]
        bg = bg_ref[...]
        iota = lax.broadcasted_iota(jnp.int32, (GP, BLK), 0)
        hx = g2 - 2.0 * (xb * bg)
        hy = g2 - 2.0 * (yb * bg)
        mx = jnp.min(hx, axis=0, keepdims=True)
        my = jnp.min(hy, axis=0, keepdims=True)
        kx = _first_true_idx(hx <= jnp.maximum(mx, -(an + my)), iota)
        hxs = jnp.sum(jnp.where(iota == kx, hx, 0.0), axis=0,
                      keepdims=True)
        ky = _first_true_idx(hy <= jnp.maximum(my, -(an + hxs)), iota)
        o_ref[...] = jnp.reshape(kx * GRID + ky, (BLK,))

    return pl.pallas_call(
        body,
        grid=(NBLK,),
        in_specs=[
            pl.BlockSpec((2, BLK), lambda i: (0, i)),
            pl.BlockSpec((GP, 1), lambda i: (0, 0)),
            pl.BlockSpec((GP, 1), lambda i: (0, 0)),
        ],
        out_specs=pl.BlockSpec((BLK,), lambda i: (i,)),
        out_shape=jax.ShapeDtypeStruct((B,), jnp.int32),
    )(tb_t, g2p, bgp)


def _sc_gather_partials(ids, E):
    mesh = plsc.VectorSubcoreMesh(core_axis_name="c", subcore_axis_name="s")

    @functools.partial(
        pl.kernel,
        out_type=jax.ShapeDtypeStruct((NW, L), jnp.float32),
        mesh=mesh,
        scratch_types=[
            pltpu.VMEM((NG, GCH), jnp.int32),
            pltpu.VMEM((BPW,), jnp.float32),
            pltpu.VMEM((L,), jnp.float32),
            pltpu.SemaphoreType.DMA,
            pltpu.SemaphoreType.DMA,
        ],
    )
    def k(ids_hbm, e_hbm, out_hbm, idxv, valv, accv, sem_i, sem_g):
        wid = lax.axis_index("s") * NC + lax.axis_index("c")
        base = wid * BPW
        idx_copies = [
            pltpu.async_copy(ids_hbm.at[pl.ds(base + c * GCH, GCH)],
                             idxv.at[c], sem_i)
            for c in range(NG)
        ]
        accv[...] = jnp.zeros((L,), jnp.float32)
        gathers = []
        for c in range(NG):
            idx_copies[c].wait()
            gathers.append(
                pltpu.async_copy(e_hbm.at[idxv.at[c]],
                                 valv.at[pl.ds(c * GCH, GCH)], sem_g))
        for c in range(NG):
            gathers[c].wait()
            for i in range(GCH // L):
                accv[...] = accv[...] + valv[pl.ds(c * GCH + i * L, L)]
        pltpu.sync_copy(accv, out_hbm.at[wid])

    return k(ids, E)


def _tc_combine(e2d, partials):

    def body(e_ref, p_ref, o_ref):
        se = jnp.sum(jnp.exp(-e_ref[...]))
        mean = jnp.sum(p_ref[...]) * (1.0 / B)
        val = -mean - jnp.log(se) - LOG_DXDY
        o_ref[...] = jnp.reshape(val, (1, 1))

    return pl.pallas_call(
        body,
        out_shape=jax.ShapeDtypeStruct((1, 1), jnp.float32),
    )(e2d, partials)


def kernel(train_batch, E):
    tb_t = train_batch.T
    g2p, bgp = _grid_tables()
    ids = _tc_ids(tb_t, g2p, bgp)
    partials = _sc_gather_partials(ids, E)
    out = _tc_combine(E.reshape(GRID, GRID), partials)
    return out[0, 0]

# --- scband reference (transcript-rebuilt; emitter-appended) ---
"""Pipeline reference for scband-gamma-e-48945447305870 (READ-ONLY COPY).

The authoritative reference and input builder live on the scoring server;
editing this copy changes nothing except your own understanding.
"""

import jax, jax.numpy as jnp
import numpy as np

GRID = 200
XMIN, XMAX = -5.0, 5.0
DX = (XMAX - XMIN) / GRID
DY = (XMAX - XMIN) / GRID


def _points():
    x = jnp.linspace(XMIN, XMAX, GRID)
    y = jnp.linspace(XMIN, XMAX, GRID)
    xg, yg = jnp.meshgrid(x, y, indexing='ij')
    return jnp.stack([xg, yg], axis=2).reshape(-1, 2)


def _pairwise_sq_dists(a, b):
    an = jnp.sum(a * a, axis=1)[:, None]
    bn = jnp.sum(b * b, axis=1)[None, :]
    d = an + bn - 2.0 * (a @ b.T)
    return jnp.maximum(d, 0.0)


def setup_inputs(seed: int = 0) -> dict:
    key = jax.random.key(seed)
    k1, k2 = jax.random.split(key)
    train_batch = jax.random.normal(k1, (16384, 2), dtype=jnp.float32)
    E = jax.random.normal(k2, (GRID * GRID,), dtype=jnp.float32)
    return {"train_batch": train_batch, "E": E}


def reference(train_batch, E):
    pts = _points()
    pd = _pairwise_sq_dists(train_batch, pts)
    ids = jnp.argmin(pd, axis=1)  # nearest grid point per sample (1-NN retrieval)
    logZ = jax.scipy.special.logsumexp(-E, axis=0) + np.log(DX) + np.log(DY)
    return -jnp.take(E, ids, axis=0).mean() - logZ

if __name__ == "__main__":
    import jax
    _d = setup_inputs()
    print(jax.jit(kernel)(*tuple(_d.values())))

</pallas_src>

<mosaic_0001>
#map = affine_map<(d0, d1) -> (0)>
#map1 = affine_map<(d0, d1) -> (0, 0)>
module attributes {stable_mosaic.version = 14 : i64} {
  func.func @k(%arg0: i32, %arg1: i32, %arg2: memref<16384xi32, #tpu.memory_space<hbm>>, %arg3: memref<40000xf32, #tpu.memory_space<hbm>>, %arg4: memref<32x16xf32, #tpu.memory_space<hbm>>, %arg5: memref<4x128xi32, #tpu.memory_space<vmem>>, %arg6: memref<512xf32, #tpu.memory_space<vmem>>, %arg7: memref<16xf32, #tpu.memory_space<vmem>>, %arg8: memref<!tpu.dma_semaphore, #tpu.memory_space<semaphore_mem>>, %arg9: memref<!tpu.dma_semaphore, #tpu.memory_space<semaphore_mem>>) attributes {dimension_semantics = [#tpu.dimension_semantics<core_parallel>, #tpu.dimension_semantics<subcore_parallel>], iteration_bounds = array<i64: 2, 16>, scalar_prefetch = 0 : i64, scratch_operands = 5 : i64, tpu.core_type = #tpu.core_type<sc_vector_subcore>, window_params = [{transform_indices = #map}, {transform_indices = #map}, {transform_indices = #map1}]} {
    %mul3A = arith.constant 2 : i32
    %mul3A_0 = arith.muli %arg1, %mul3A : i32
    %add3A = arith.addi %mul3A_0, %arg0 : i32
    %mul3A_1 = arith.constant 512 : i32
    %mul3A_2 = arith.muli %add3A, %mul3A_1 : i32
    %add3A_3 = arith.constant 0 : i32
    %add3A_4 = arith.addi %mul3A_2, %add3A_3 : i32
    %dma_start3A = arith.constant 0 : i32
    %dma_start3A_5 = arith.constant 0 : i32
    %dma_start3A_6 = tpu.memref_slice %arg5[%dma_start3A, %dma_start3A_5] : memref<4x128xi32, #tpu.memory_space<vmem>> -> memref<1x128xi32, #tpu.memory_space<vmem>>
    %dma_start3A_7 = tpu.memref_squeeze %dma_start3A_6 : memref<1x128xi32, #tpu.memory_space<vmem>> -> memref<128xi32, #tpu.memory_space<vmem>>
    %dma_start3A_8 = tpu.memref_slice %arg2[%add3A_4] : memref<16384xi32, #tpu.memory_space<hbm>> -> memref<128xi32, #tpu.memory_space<hbm>>
    %dma_start3A_9 = arith.constant 0 : i32
    %dma_start3A_10 = tpu.memref_slice %arg5[%dma_start3A, %dma_start3A_9] : memref<4x128xi32, #tpu.memory_space<vmem>> -> memref<1x128xi32, #tpu.memory_space<vmem>>
    %dma_start3A_11 = tpu.memref_squeeze %dma_start3A_10 : memref<1x128xi32, #tpu.memory_space<vmem>> -> memref<128xi32, #tpu.memory_space<vmem>>
    %dma_start3A_12 = tpu.memref_slice %arg2[%add3A_4] : memref<16384xi32, #tpu.memory_space<hbm>> -> memref<128xi32, #tpu.memory_space<hbm>>
    tpu.enqueue_dma source(%dma_start3A_12 : memref<128xi32, #tpu.memory_space<hbm>>) target(%dma_start3A_11 : memref<128xi32, #tpu.memory_space<vmem>>) target_semaphore(%arg8 : memref<!tpu.dma_semaphore, #tpu.memory_space<semaphore_mem>>)
    %add3A_13 = arith.constant 128 : i32
    %add3A_14 = arith.addi %mul3A_2, %add3A_13 : i32
    %dma_start3A_15 = arith.constant 1 : i32
    %dma_start3A_16 = arith.constant 0 : i32
    %dma_start3A_17 = tpu.memref_slice %arg5[%dma_start3A_15, %dma_start3A_16] : memref<4x128xi32, #tpu.memory_space<vmem>> -> memref<1x128xi32, #tpu.memory_space<vmem>>
    %dma_start3A_18 = tpu.memref_squeeze %dma_start3A_17 : memref<1x128xi32, #tpu.memory_space<vmem>> -> memref<128xi32, #tpu.memory_space<vmem>>
    %dma_start3A_19 = tpu.memref_slice %arg2[%add3A_14] : memref<16384xi32, #tpu.memory_space<hbm>> -> memref<128xi32, #tpu.memory_space<hbm>>
    %dma_start3A_20 = arith.constant 0 : i32
    %dma_start3A_21 = tpu.memref_slice %arg5[%dma_start3A_15, %dma_start3A_20] : memref<4x128xi32, #tpu.memory_space<vmem>> -> memref<1x128xi32, #tpu.memory_space<vmem>>
    %dma_start3A_22 = tpu.memref_squeeze %dma_start3A_21 : memref<1x128xi32, #tpu.memory_space<vmem>> -> memref<128xi32, #tpu.memory_space<vmem>>
    %dma_start3A_23 = tpu.memref_slice %arg2[%add3A_14] : memref<16384xi32, #tpu.memory_space<hbm>> -> memref<128xi32, #tpu.memory_space<hbm>>
    tpu.enqueue_dma source(%dma_start3A_23 : memref<128xi32, #tpu.memory_space<hbm>>) target(%dma_start3A_22 : memref<128xi32, #tpu.memory_space<vmem>>) target_semaphore(%arg8 : memref<!tpu.dma_semaphore, #tpu.memory_space<semaphore_mem>>)
    %add3A_24 = arith.constant 256 : i32
    %add3A_25 = arith.addi %mul3A_2, %add3A_24 : i32
    %dma_start3A_26 = arith.constant 2 : i32
    %dma_start3A_27 = arith.constant 0 : i32
    %dma_start3A_28 = tpu.memref_slice %arg5[%dma_start3A_26, %dma_start3A_27] : memref<4x128xi32, #tpu.memory_space<vmem>> -> memref<1x128xi32, #tpu.memory_space<vmem>>
    %dma_start3A_29 = tpu.memref_squeeze %dma_start3A_28 : memref<1x128xi32, #tpu.memory_space<vmem>> -> memref<128xi32, #tpu.memory_space<vmem>>
    %dma_start3A_30 = tpu.memref_slice %arg2[%add3A_25] : memref<16384xi32, #tpu.memory_space<hbm>> -> memref<128xi32, #tpu.memory_space<hbm>>
    %dma_start3A_31 = arith.constant 0 : i32
    %dma_start3A_32 = tpu.memref_slice %arg5[%dma_start3A_26, %dma_start3A_31] : memref<4x128xi32, #tpu.memory_space<vmem>> -> memref<1x128xi32, #tpu.memory_space<vmem>>
    %dma_start3A_33 = tpu.memref_squeeze %dma_start3A_32 : memref<1x128xi32, #tpu.memory_space<vmem>> -> memref<128xi32, #tpu.memory_space<vmem>>
    %dma_start3A_34 = tpu.memref_slice %arg2[%add3A_25] : memref<16384xi32, #tpu.memory_space<hbm>> -> memref<128xi32, #tpu.memory_space<hbm>>
    tpu.enqueue_dma source(%dma_start3A_34 : memref<128xi32, #tpu.memory_space<hbm>>) target(%dma_start3A_33 : memref<128xi32, #tpu.memory_space<vmem>>) target_semaphore(%arg8 : memref<!tpu.dma_semaphore, #tpu.memory_space<semaphore_mem>>)
    %add3A_35 = arith.constant 384 : i32
    %add3A_36 = arith.addi %mul3A_2, %add3A_35 : i32
    %dma_start3A_37 = arith.constant 3 : i32
    %dma_start3A_38 = arith.constant 0 : i32
    %dma_start3A_39 = tpu.memref_slice %arg5[%dma_start3A_37, %dma_start3A_38] : memref<4x128xi32, #tpu.memory_space<vmem>> -> memref<1x128xi32, #tpu.memory_space<vmem>>
    %dma_start3A_40 = tpu.memref_squeeze %dma_start3A_39 : memref<1x128xi32, #tpu.memory_space<vmem>> -> memref<128xi32, #tpu.memory_space<vmem>>
    %dma_start3A_41 = tpu.memref_slice %arg2[%add3A_36] : memref<16384xi32, #tpu.memory_space<hbm>> -> memref<128xi32, #tpu.memory_space<hbm>>
    %dma_start3A_42 = arith.constant 0 : i32
    %dma_start3A_43 = tpu.memref_slice %arg5[%dma_start3A_37, %dma_start3A_42] : memref<4x128xi32, #tpu.memory_space<vmem>> -> memref<1x128xi32, #tpu.memory_space<vmem>>
    %dma_start3A_44 = tpu.memref_squeeze %dma_start3A_43 : memref<1x128xi32, #tpu.memory_space<vmem>> -> memref<128xi32, #tpu.memory_space<vmem>>
    %dma_start3A_45 = tpu.memref_slice %arg2[%add3A_36] : memref<16384xi32, #tpu.memory_space<hbm>> -> memref<128xi32, #tpu.memory_space<hbm>>
    tpu.enqueue_dma source(%dma_start3A_45 : memref<128xi32, #tpu.memory_space<hbm>>) target(%dma_start3A_44 : memref<128xi32, #tpu.memory_space<vmem>>) target_semaphore(%arg8 : memref<!tpu.dma_semaphore, #tpu.memory_space<semaphore_mem>>)
    %broadcast_in_dim3A = arith.constant 0.000000e+00 : f32
    %broadcast_in_dim3A_46 = vector.broadcast %broadcast_in_dim3A : f32 to vector<16xf32>
    %swap3A = arith.constant 0 : index
    %swap3A_47 = tpu.vector_load %arg7[%swap3A] {strides = array<i32>} : memref<16xf32, #tpu.memory_space<vmem>>, vector<16xf32>,
    %swap3A_48 = vector.shape_cast %swap3A_47 : vector<16xf32> to vector<16xf32>
    %swap3A_49 = vector.shape_cast %broadcast_in_dim3A_46 : vector<16xf32> to vector<16xf32>
    tpu.vector_store %arg7[%swap3A], %swap3A_49 {strides = array<i32>} : memref<16xf32, #tpu.memory_space<vmem>>, vector<16xf32>,
    %dma_wait3A = arith.constant 0 : i32
    %dma_wait3A_50 = arith.constant 0 : i32
    %dma_wait3A_51 = tpu.memref_slice %arg5[%dma_wait3A, %dma_wait3A_50] : memref<4x128xi32, #tpu.memory_space<vmem>> -> memref<1x128xi32, #tpu.memory_space<vmem>>
    %dma_wait3A_52 = tpu.memref_squeeze %dma_wait3A_51 : memref<1x128xi32, #tpu.memory_space<vmem>> -> memref<128xi32, #tpu.memory_space<vmem>>
    %dma_wait3A_53 = tpu.memref_slice %arg2[%add3A_4] : memref<16384xi32, #tpu.memory_space<hbm>> -> memref<128xi32, #tpu.memory_space<hbm>>
    %dma_wait3A_54 = arith.constant 0 : i32
    %dma_wait3A_55 = tpu.memref_slice %arg5[%dma_wait3A, %dma_wait3A_54] : memref<4x128xi32, #tpu.memory_space<vmem>> -> memref<1x128xi32, #tpu.memory_space<vmem>>
    %dma_wait3A_56 = tpu.memref_squeeze %dma_wait3A_55 : memref<1x128xi32, #tpu.memory_space<vmem>> -> memref<128xi32, #tpu.memory_space<vmem>>
    %dma_wait3A_57 = tpu.memref_slice %arg2[%add3A_4] : memref<16384xi32, #tpu.memory_space<hbm>> -> memref<128xi32, #tpu.memory_space<hbm>>
    tpu.wait_dma2 semaphore(%arg8 : memref<!tpu.dma_semaphore, #tpu.memory_space<semaphore_mem>>) src(%dma_wait3A_57 : memref<128xi32, #tpu.memory_space<hbm>>) dst(%dma_wait3A_56 : memref<128xi32, #tpu.memory_space<vmem>>)
    %dma_start3A_58 = arith.constant 0 : i32
    %dma_start3A_59 = arith.constant 0 : i32
    %dma_start3A_60 = tpu.memref_slice %arg6[%dma_start3A_59] : memref<512xf32, #tpu.memory_space<vmem>> -> memref<128xf32, #tpu.memory_space<vmem>>
    %dma_start3A_61 = arith.constant 0 : i32
    %dma_start3A_62 = tpu.memref_slice %arg5[%dma_start3A_58, %dma_start3A_61] : memref<4x128xi32, #tpu.memory_space<vmem>> -> memref<1x128xi32, #tpu.memory_space<vmem>>
    %dma_start3A_63 = tpu.memref_squeeze %dma_start3A_62 : memref<1x128xi32, #tpu.memory_space<vmem>> -> memref<128xi32, #tpu.memory_space<vmem>>
    %dma_start3A_64 = arith.constant 0 : i32
    %dma_start3A_65 = tpu.memref_slice %arg3[%dma_start3A_64] : memref<40000xf32, #tpu.memory_space<hbm>> -> memref<40000xf32, #tpu.memory_space<hbm>>
    tpu.enqueue_indirect_dma source(%dma_start3A_65 : memref<40000xf32, #tpu.memory_space<hbm>>) target(%dma_start3A_60 : memref<128xf32, #tpu.memory_space<vmem>>) offsets(%dma_start3A_63 : memref<128xi32, #tpu.memory_space<vmem>>) semaphore(%arg9 : memref<!tpu.dma_semaphore, #tpu.memory_space<semaphore_mem>>)
    %dma_wait3A_66 = arith.constant 1 : i32
    %dma_wait3A_67 = arith.constant 0 : i32
    %dma_wait3A_68 = tpu.memref_slice %arg5[%dma_wait3A_66, %dma_wait3A_67] : memref<4x128xi32, #tpu.memory_space<vmem>> -> memref<1x128xi32, #tpu.memory_space<vmem>>
    %dma_wait3A_69 = tpu.memref_squeeze %dma_wait3A_68 : memref<1x128xi32, #tpu.memory_space<vmem>> -> memref<128xi32, #tpu.memory_space<vmem>>
    %dma_wait3A_70 = tpu.memref_slice %arg2[%add3A_14] : memref<16384xi32, #tpu.memory_space<hbm>> -> memref<128xi32, #tpu.memory_space<hbm>>
    %dma_wait3A_71 = arith.constant 0 : i32
    %dma_wait3A_72 = tpu.memref_slice %arg5[%dma_wait3A_66, %dma_wait3A_71] : memref<4x128xi32, #tpu.memory_space<vmem>> -> memref<1x128xi32, #tpu.memory_space<vmem>>
    %dma_wait3A_73 = tpu.memref_squeeze %dma_wait3A_72 : memref<1x128xi32, #tpu.memory_space<vmem>> -> memref<128xi32, #tpu.memory_space<vmem>>
    %dma_wait3A_74 = tpu.memref_slice %arg2[%add3A_14] : memref<16384xi32, #tpu.memory_space<hbm>> -> memref<128xi32, #tpu.memory_space<hbm>>
    tpu.wait_dma2 semaphore(%arg8 : memref<!tpu.dma_semaphore, #tpu.memory_space<semaphore_mem>>) src(%dma_wait3A_74 : memref<128xi32, #tpu.memory_space<hbm>>) dst(%dma_wait3A_73 : memref<128xi32, #tpu.memory_space<vmem>>)
    %dma_start3A_75 = arith.constant 1 : i32
    %dma_start3A_76 = arith.constant 128 : i32
    %dma_start3A_77 = tpu.memref_slice %arg6[%dma_start3A_76] : memref<512xf32, #tpu.memory_space<vmem>> -> memref<128xf32, #tpu.memory_space<vmem>>
    %dma_start3A_78 = arith.constant 0 : i32
    %dma_start3A_79 = tpu.memref_slice %arg5[%dma_start3A_75, %dma_start3A_78] : memref<4x128xi32, #tpu.memory_space<vmem>> -> memref<1x128xi32, #tpu.memory_space<vmem>>
    %dma_start3A_80 = tpu.memref_squeeze %dma_start3A_79 : memref<1x128xi32, #tpu.memory_space<vmem>> -> memref<128xi32, #tpu.memory_space<vmem>>
    %dma_start3A_81 = arith.constant 0 : i32
    %dma_start3A_82 = tpu.memref_slice %arg3[%dma_start3A_81] : memref<40000xf32, #tpu.memory_space<hbm>> -> memref<40000xf32, #tpu.memory_space<hbm>>
    tpu.enqueue_indirect_dma source(%dma_start3A_82 : memref<40000xf32, #tpu.memory_space<hbm>>) target(%dma_start3A_77 : memref<128xf32, #tpu.memory_space<vmem>>) offsets(%dma_start3A_80 : memref<128xi32, #tpu.memory_space<vmem>>) semaphore(%arg9 : memref<!tpu.dma_semaphore, #tpu.memory_space<semaphore_mem>>)
    %dma_wait3A_83 = arith.constant 2 : i32
    %dma_wait3A_84 = arith.constant 0 : i32
    %dma_wait3A_85 = tpu.memref_slice %arg5[%dma_wait3A_83, %dma_wait3A_84] : memref<4x128xi32, #tpu.memory_space<vmem>> -> memref<1x128xi32, #tpu.memory_space<vmem>>
    %dma_wait3A_86 = tpu.memref_squeeze %dma_wait3A_85 : memref<1x128xi32, #tpu.memory_space<vmem>> -> memref<128xi32, #tpu.memory_space<vmem>>
    %dma_wait3A_87 = tpu.memref_slice %arg2[%add3A_25] : memref<16384xi32, #tpu.memory_space<hbm>> -> memref<128xi32, #tpu.memory_space<hbm>>
    %dma_wait3A_88 = arith.constant 0 : i32
    %dma_wait3A_89 = tpu.memref_slice %arg5[%dma_wait3A_83, %dma_wait3A_88] : memref<4x128xi32, #tpu.memory_space<vmem>> -> memref<1x128xi32, #tpu.memory_space<vmem>>
    %dma_wait3A_90 = tpu.memref_squeeze %dma_wait3A_89 : memref<1x128xi32, #tpu.memory_space<vmem>> -> memref<128xi32, #tpu.memory_space<vmem>>
    %dma_wait3A_91 = tpu.memref_slice %arg2[%add3A_25] : memref<16384xi32, #tpu.memory_space<hbm>> -> memref<128xi32, #tpu.memory_space<hbm>>
    tpu.wait_dma2 semaphore(%arg8 : memref<!tpu.dma_semaphore, #tpu.memory_space<semaphore_mem>>) src(%dma_wait3A_91 : memref<128xi32, #tpu.memory_space<hbm>>) dst(%dma_wait3A_90 : memref<128xi32, #tpu.memory_space<vmem>>)
    %dma_start3A_92 = arith.constant 2 : i32
    %dma_start3A_93 = arith.constant 256 : i32
    %dma_start3A_94 = tpu.memref_slice %arg6[%dma_start3A_93] : memref<512xf32, #tpu.memory_space<vmem>> -> memref<128xf32, #tpu.memory_space<vmem>>
    %dma_start3A_95 = arith.constant 0 : i32
    %dma_start3A_96 = tpu.memref_slice %arg5[%dma_start3A_92, %dma_start3A_95] : memref<4x128xi32, #tpu.memory_space<vmem>> -> memref<1x128xi32, #tpu.memory_space<vmem>>
    %dma_start3A_97 = tpu.memref_squeeze %dma_start3A_96 : memref<1x128xi32, #tpu.memory_space<vmem>> -> memref<128xi32, #tpu.memory_space<vmem>>
    %dma_start3A_98 = arith.constant 0 : i32
    %dma_start3A_99 = tpu.memref_slice %arg3[%dma_start3A_98] : memref<40000xf32, #tpu.memory_space<hbm>> -> memref<40000xf32, #tpu.memory_space<hbm>>
    tpu.enqueue_indirect_dma source(%dma_start3A_99 : memref<40000xf32, #tpu.memory_space<hbm>>) target(%dma_start3A_94 : memref<128xf32, #tpu.memory_space<vmem>>) offsets(%dma_start3A_97 : memref<128xi32, #tpu.memory_space<vmem>>) semaphore(%arg9 : memref<!tpu.dma_semaphore, #tpu.memory_space<semaphore_mem>>)
    %dma_wait3A_100 = arith.constant 3 : i32
    %dma_wait3A_101 = arith.constant 0 : i32
    %dma_wait3A_102 = tpu.memref_slice %arg5[%dma_wait3A_100, %dma_wait3A_101] : memref<4x128xi32, #tpu.memory_space<vmem>> -> memref<1x128xi32, #tpu.memory_space<vmem>>
    %dma_wait3A_103 = tpu.memref_squeeze %dma_wait3A_102 : memref<1x128xi32, #tpu.memory_space<vmem>> -> memref<128xi32, #tpu.memory_space<vmem>>
    %dma_wait3A_104 = tpu.memref_slice %arg2[%add3A_36] : memref<16384xi32, #tpu.memory_space<hbm>> -> memref<128xi32, #tpu.memory_space<hbm>>
    %dma_wait3A_105 = arith.constant 0 : i32
    %dma_wait3A_106 = tpu.memref_slice %arg5[%dma_wait3A_100, %dma_wait3A_105] : memref<4x128xi32, #tpu.memory_space<vmem>> -> memref<1x128xi32, #tpu.memory_space<vmem>>
    %dma_wait3A_107 = tpu.memref_squeeze %dma_wait3A_106 : memref<1x128xi32, #tpu.memory_space<vmem>> -> memref<128xi32, #tpu.memory_space<vmem>>
    %dma_wait3A_108 = tpu.memref_slice %arg2[%add3A_36] : memref<16384xi32, #tpu.memory_space<hbm>> -> memref<128xi32, #tpu.memory_space<hbm>>
    tpu.wait_dma2 semaphore(%arg8 : memref<!tpu.dma_semaphore, #tpu.memory_space<semaphore_mem>>) src(%dma_wait3A_108 : memref<128xi32, #tpu.memory_space<hbm>>) dst(%dma_wait3A_107 : memref<128xi32, #tpu.memory_space<vmem>>)
    %dma_start3A_109 = arith.constant 3 : i32
    %dma_start3A_110 = arith.constant 384 : i32
    %dma_start3A_111 = tpu.memref_slice %arg6[%dma_start3A_110] : memref<512xf32, #tpu.memory_space<vmem>> -> memref<128xf32, #tpu.memory_space<vmem>>
    %dma_start3A_112 = arith.constant 0 : i32
    %dma_start3A_113 = tpu.memref_slice %arg5[%dma_start3A_109, %dma_start3A_112] : memref<4x128xi32, #tpu.memory_space<vmem>> -> memref<1x128xi32, #tpu.memory_space<vmem>>
    %dma_start3A_114 = tpu.memref_squeeze %dma_start3A_113 : memref<1x128xi32, #tpu.memory_space<vmem>> -> memref<128xi32, #tpu.memory_space<vmem>>
    %dma_start3A_115 = arith.constant 0 : i32
    %dma_start3A_116 = tpu.memref_slice %arg3[%dma_start3A_115] : memref<40000xf32, #tpu.memory_space<hbm>> -> memref<40000xf32, #tpu.memory_space<hbm>>
    tpu.enqueue_indirect_dma source(%dma_start3A_116 : memref<40000xf32, #tpu.memory_space<hbm>>) target(%dma_start3A_111 : memref<128xf32, #tpu.memory_space<vmem>>) offsets(%dma_start3A_114 : memref<128xi32, #tpu.memory_space<vmem>>) semaphore(%arg9 : memref<!tpu.dma_semaphore, #tpu.memory_space<semaphore_mem>>)
    %dma_wait3A_117 = arith.constant 0 : i32
    %dma_wait3A_118 = arith.constant 0 : i32
    %dma_wait3A_119 = tpu.memref_slice %arg6[%dma_wait3A_118] : memref<512xf32, #tpu.memory_space<vmem>> -> memref<128xf32, #tpu.memory_space<vmem>>
    %dma_wait3A_120 = arith.constant 0 : i32
    %dma_wait3A_121 = tpu.memref_slice %arg5[%dma_wait3A_117, %dma_wait3A_120] : memref<4x128xi32, #tpu.memory_space<vmem>> -> memref<1x128xi32, #tpu.memory_space<vmem>>
    %dma_wait3A_122 = tpu.memref_squeeze %dma_wait3A_121 : memref<1x128xi32, #tpu.memory_space<vmem>> -> memref<128xi32, #tpu.memory_space<vmem>>
    %dma_wait3A_123 = arith.constant 0 : i32
    %dma_wait3A_124 = tpu.memref_slice %arg3[%dma_wait3A_123] : memref<40000xf32, #tpu.memory_space<hbm>> -> memref<40000xf32, #tpu.memory_space<hbm>>
    tpu.wait_indirect_dma semaphore(%arg9 : memref<!tpu.dma_semaphore, #tpu.memory_space<semaphore_mem>>) src(%dma_wait3A_124 : memref<40000xf32, #tpu.memory_space<hbm>>) dst(%dma_wait3A_119 : memref<128xf32, #tpu.memory_space<vmem>>)
    %get3A = arith.constant 0 : index
    %get3A_125 = tpu.vector_load %arg7[%get3A] {strides = array<i32>} : memref<16xf32, #tpu.memory_space<vmem>>, vector<16xf32>,
    %get3A_126 = vector.shape_cast %get3A_125 : vector<16xf32> to vector<16xf32>
    %get3A_127 = arith.constant 0 : index
    %get3A_128 = tpu.vector_load %arg6[%get3A_127] {strides = array<i32>} : memref<512xf32, #tpu.memory_space<vmem>>, vector<16xf32>,
    %get3A_129 = vector.shape_cast %get3A_128 : vector<16xf32> to vector<16xf32>
    %add3A_130 = arith.addf %get3A_126, %get3A_129 : vector<16xf32>
    %swap3A_131 = arith.constant 0 : index
    %swap3A_132 = tpu.vector_load %arg7[%swap3A_131] {strides = array<i32>} : memref<16xf32, #tpu.memory_space<vmem>>, vector<16xf32>,
    %swap3A_133 = vector.shape_cast %swap3A_132 : vector<16xf32> to vector<16xf32>
    %swap3A_134 = vector.shape_cast %add3A_130 : vector<16xf32> to vector<16xf32>
    tpu.vector_store %arg7[%swap3A_131], %swap3A_134 {strides = array<i32>} : memref<16xf32, #tpu.memory_space<vmem>>, vector<16xf32>,
    %get3A_135 = arith.constant 0 : index
    %get3A_136 = tpu.vector_load %arg7[%get3A_135] {strides = array<i32>} : memref<16xf32, #tpu.memory_space<vmem>>, vector<16xf32>,
    %get3A_137 = vector.shape_cast %get3A_136 : vector<16xf32> to vector<16xf32>
    %get3A_138 = arith.constant 16 : index
    %get3A_139 = tpu.vector_load %arg6[%get3A_138] {strides = array<i32>} : memref<512xf32, #tpu.memory_space<vmem>>, vector<16xf32>,
    %get3A_140 = vector.shape_cast %get3A_139 : vector<16xf32> to vector<16xf32>
    %add3A_141 = arith.addf %get3A_137, %get3A_140 : vector<16xf32>
    %swap3A_142 = arith.constant 0 : index
    %swap3A_143 = tpu.vector_load %arg7[%swap3A_142] {strides = array<i32>} : memref<16xf32, #tpu.memory_space<vmem>>, vector<16xf32>,
    %swap3A_144 = vector.shape_cast %swap3A_143 : vector<16xf32> to vector<16xf32>
    %swap3A_145 = vector.shape_cast %add3A_141 : vector<16xf32> to vector<16xf32>
    tpu.vector_store %arg7[%swap3A_142], %swap3A_145 {strides = array<i32>} : memref<16xf32, #tpu.memory_space<vmem>>, vector<16xf32>,
    %get3A_146 = arith.constant 0 : index
    %get3A_147 = tpu.vector_load %arg7[%get3A_146] {strides = array<i32>} : memref<16xf32, #tpu.memory_space<vmem>>, vector<16xf32>,
    %get3A_148 = vector.shape_cast %get3A_147 : vector<16xf32> to vector<16xf32>
    %get3A_149 = arith.constant 32 : index
    %get3A_150 = tpu.vector_load %arg6[%get3A_149] {strides = array<i32>} : memref<512xf32, #tpu.memory_space<vmem>>, vector<16xf32>,
    %get3A_151 = vector.shape_cast %get3A_150 : vector<16xf32> to vector<16xf32>
    %add3A_152 = arith.addf %get3A_148, %get3A_151 : vector<16xf32>
    %swap3A_153 = arith.constant 0 : index
    %swap3A_154 = tpu.vector_load %arg7[%swap3A_153] {strides = array<i32>} : memref<16xf32, #tpu.memory_space<vmem>>, vector<16xf32>,
    %swap3A_155 = vector.shape_cast %swap3A_154 : vector<16xf32> to vector<16xf32>
    %swap3A_156 = vector.shape_cast %add3A_152 : vector<16xf32> to vector<16xf32>
    tpu.vector_store %arg7[%swap3A_153], %swap3A_156 {strides = array<i32>} : memref<16xf32, #tpu.memory_space<vmem>>, vector<16xf32>,
    %get3A_157 = arith.constant 0 : index
    %get3A_158 = tpu.vector_load %arg7[%get3A_157] {strides = array<i32>} : memref<16xf32, #tpu.memory_space<vmem>>, vector<16xf32>,
    %get3A_159 = vector.shape_cast %get3A_158 : vector<16xf32> to vector<16xf32>
    %get3A_160 = arith.constant 48 : index
    %get3A_161 = tpu.vector_load %arg6[%get3A_160] {strides = array<i32>} : memref<512xf32, #tpu.memory_space<vmem>>, vector<16xf32>,
    %get3A_162 = vector.shape_cast %get3A_161 : vector<16xf32> to vector<16xf32>
    %add3A_163 = arith.addf %get3A_159, %get3A_162 : vector<16xf32>
    %swap3A_164 = arith.constant 0 : index
    %swap3A_165 = tpu.vector_load %arg7[%swap3A_164] {strides = array<i32>} : memref<16xf32, #tpu.memory_space<vmem>>, vector<16xf32>,
    %swap3A_166 = vector.shape_cast %swap3A_165 : vector<16xf32> to vector<16xf32>
    %swap3A_167 = vector.shape_cast %add3A_163 : vector<16xf32> to vector<16xf32>
    tpu.vector_store %arg7[%swap3A_164], %swap3A_167 {strides = array<i32>} : memref<16xf32, #tpu.memory_space<vmem>>, vector<16xf32>,
    %get3A_168 = arith.constant 0 : index
    %get3A_169 = tpu.vector_load %arg7[%get3A_168] {strides = array<i32>} : memref<16xf32, #tpu.memory_space<vmem>>, vector<16xf32>,
    %get3A_170 = vector.shape_cast %get3A_169 : vector<16xf32> to vector<16xf32>
    %get3A_171 = arith.constant 64 : index
    %get3A_172 = tpu.vector_load %arg6[%get3A_171] {strides = array<i32>} : memref<512xf32, #tpu.memory_space<vmem>>, vector<16xf32>,
    %get3A_173 = vector.shape_cast %get3A_172 : vector<16xf32> to vector<16xf32>
    %add3A_174 = arith.addf %get3A_170, %get3A_173 : vector<16xf32>
    %swap3A_175 = arith.constant 0 : index
    %swap3A_176 = tpu.vector_load %arg7[%swap3A_175] {strides = array<i32>} : memref<16xf32, #tpu.memory_space<vmem>>, vector<16xf32>,
    %swap3A_177 = vector.shape_cast %swap3A_176 : vector<16xf32> to vector<16xf32>
    %swap3A_178 = vector.shape_cast %add3A_174 : vector<16xf32> to vector<16xf32>
    tpu.vector_store %arg7[%swap3A_175], %swap3A_178 {strides = array<i32>} : memref<16xf32, #tpu.memory_space<vmem>>, vector<16xf32>,
    %get3A_179 = arith.constant 0 : index
    %get3A_180 = tpu.vector_load %arg7[%get3A_179] {strides = array<i32>} : memref<16xf32, #tpu.memory_space<vmem>>, vector<16xf32>,
    %get3A_181 = vector.shape_cast %get3A_180 : vector<16xf32> to vector<16xf32>
    %get3A_182 = arith.constant 80 : index
    %get3A_183 = tpu.vector_load %arg6[%get3A_182] {strides = array<i32>} : memref<512xf32, #tpu.memory_space<vmem>>, vector<16xf32>,
    %get3A_184 = vector.shape_cast %get3A_183 : vector<16xf32> to vector<16xf32>
    %add3A_185 = arith.addf %get3A_181, %get3A_184 : vector<16xf32>
    %swap3A_186 = arith.constant 0 : index
    %swap3A_187 = tpu.vector_load %arg7[%swap3A_186] {strides = array<i32>} : memref<16xf32, #tpu.memory_space<vmem>>, vector<16xf32>,
    %swap3A_188 = vector.shape_cast %swap3A_187 : vector<16xf32> to vector<16xf32>
    %swap3A_189 = vector.shape_cast %add3A_185 : vector<16xf32> to vector<16xf32>
    tpu.vector_store %arg7[%swap3A_186], %swap3A_189 {strides = array<i32>} : memref<16xf32, #tpu.memory_space<vmem>>, vector<16xf32>,
    %get3A_190 = arith.constant 0 : index
    %get3A_191 = tpu.vector_load %arg7[%get3A_190] {strides = array<i32>} : memref<16xf32, #tpu.memory_space<vmem>>, vector<16xf32>,
    %get3A_192 = vector.shape_cast %get3A_191 : vector<16xf32> to vector<16xf32>
    %get3A_193 = arith.constant 96 : index
    %get3A_194 = tpu.vector_load %arg6[%get3A_193] {strides = array<i32>} : memref<512xf32, #tpu.memory_space<vmem>>, vector<16xf32>,
    %get3A_195 = vector.shape_cast %get3A_194 : vector<16xf32> to vector<16xf32>
    %add3A_196 = arith.addf %get3A_192, %get3A_195 : vector<16xf32>
    %swap3A_197 = arith.constant 0 : index
    %swap3A_198 = tpu.vector_load %arg7[%swap3A_197] {strides = array<i32>} : memref<16xf32, #tpu.memory_space<vmem>>, vector<16xf32>,
    %swap3A_199 = vector.shape_cast %swap3A_198 : vector<16xf32> to vector<16xf32>
    %swap3A_200 = vector.shape_cast %add3A_196 : vector<16xf32> to vector<16xf32>
    tpu.vector_store %arg7[%swap3A_197], %swap3A_200 {strides = array<i32>} : memref<16xf32, #tpu.memory_space<vmem>>, vector<16xf32>,
    %get3A_201 = arith.constant 0 : index
    %get3A_202 = tpu.vector_load %arg7[%get3A_201] {strides = array<i32>} : memref<16xf32, #tpu.memory_space<vmem>>, vector<16xf32>,
    %get3A_203 = vector.shape_cast %get3A_202 : vector<16xf32> to vector<16xf32>
    %get3A_204 = arith.constant 112 : index
    %get3A_205 = tpu.vector_load %arg6[%get3A_204] {strides = array<i32>} : memref<512xf32, #tpu.memory_space<vmem>>, vector<16xf32>,
    %get3A_206 = vector.shape_cast %get3A_205 : vector<16xf32> to vector<16xf32>
    %add3A_207 = arith.addf %get3A_203, %get3A_206 : vector<16xf32>
    %swap3A_208 = arith.constant 0 : index
    %swap3A_209 = tpu.vector_load %arg7[%swap3A_208] {strides = array<i32>} : memref<16xf32, #tpu.memory_space<vmem>>, vector<16xf32>,
    %swap3A_210 = vector.shape_cast %swap3A_209 : vector<16xf32> to vector<16xf32>
    %swap3A_211 = vector.shape_cast %add3A_207 : vector<16xf32> to vector<16xf32>
    tpu.vector_store %arg7[%swap3A_208], %swap3A_211 {strides = array<i32>} : memref<16xf32, #tpu.memory_space<vmem>>, vector<16xf32>,
    %dma_wait3A_212 = arith.constant 1 : i32
    %dma_wait3A_213 = arith.constant 128 : i32
    %dma_wait3A_214 = tpu.memref_slice %arg6[%dma_wait3A_213] : memref<512xf32, #tpu.memory_space<vmem>> -> memref<128xf32, #tpu.memory_space<vmem>>
    %dma_wait3A_215 = arith.constant 0 : i32
    %dma_wait3A_216 = tpu.memref_slice %arg5[%dma_wait3A_212, %dma_wait3A_215] : memref<4x128xi32, #tpu.memory_space<vmem>> -> memref<1x128xi32, #tpu.memory_space<vmem>>
    %dma_wait3A_217 = tpu.memref_squeeze %dma_wait3A_216 : memref<1x128xi32, #tpu.memory_space<vmem>> -> memref<128xi32, #tpu.memory_space<vmem>>
    %dma_wait3A_218 = arith.constant 0 : i32
    %dma_wait3A_219 = tpu.memref_slice %arg3[%dma_wait3A_218] : memref<40000xf32, #tpu.memory_space<hbm>> -> memref<40000xf32, #tpu.memory_space<hbm>>
    tpu.wait_indirect_dma semaphore(%arg9 : memref<!tpu.dma_semaphore, #tpu.memory_space<semaphore_mem>>) src(%dma_wait3A_219 : memref<40000xf32, #tpu.memory_space<hbm>>) dst(%dma_wait3A_214 : memref<128xf32, #tpu.memory_space<vmem>>)
    %get3A_220 = arith.constant 0 : index
    %get3A_221 = tpu.vector_load %arg7[%get3A_220] {strides = array<i32>} : memref<16xf32, #tpu.memory_space<vmem>>, vector<16xf32>,
    %get3A_222 = vector.shape_cast %get3A_221 : vector<16xf32> to vector<16xf32>
    %get3A_223 = arith.constant 128 : index
    %get3A_224 = tpu.vector_load %arg6[%get3A_223] {strides = array<i32>} : memref<512xf32, #tpu.memory_space<vmem>>, vector<16xf32>,
    %get3A_225 = vector.shape_cast %get3A_224 : vector<16xf32> to vector<16xf32>
    %add3A_226 = arith.addf %get3A_222, %get3A_225 : vector<16xf32>
    %swap3A_227 = arith.constant 0 : index
    %swap3A_228 = tpu.vector_load %arg7[%swap3A_227] {strides = array<i32>} : memref<16xf32, #tpu.memory_space<vmem>>, vector<16xf32>,
    %swap3A_229 = vector.shape_cast %swap3A_228 : vector<16xf32> to vector<16xf32>
    %swap3A_230 = vector.shape_cast %add3A_226 : vector<16xf32> to vector<16xf32>
    tpu.vector_store %arg7[%swap3A_227], %swap3A_230 {strides = array<i32>} : memref<16xf32, #tpu.memory_space<vmem>>, vector<16xf32>,
    %get3A_231 = arith.constant 0 : index
    %get3A_232 = tpu.vector_load %arg7[%get3A_231] {strides = array<i32>} : memref<16xf32, #tpu.memory_space<vmem>>, vector<16xf32>,
    %get3A_233 = vector.shape_cast %get3A_232 : vector<16xf32> to vector<16xf32>
    %get3A_234 = arith.constant 144 : index
    %get3A_235 = tpu.vector_load %arg6[%get3A_234] {strides = array<i32>} : memref<512xf32, #tpu.memory_space<vmem>>, vector<16xf32>,
    %get3A_236 = vector.shape_cast %get3A_235 : vector<16xf32> to vector<16xf32>
    %add3A_237 = arith.addf %get3A_233, %get3A_236 : vector<16xf32>
    %swap3A_238 = arith.constant 0 : index
    %swap3A_239 = tpu.vector_load %arg7[%swap3A_238] {strides = array<i32>} : memref<16xf32, #tpu.memory_space<vmem>>, vector<16xf32>,
    %swap3A_240 = vector.shape_cast %swap3A_239 : vector<16xf32> to vector<16xf32>
    %swap3A_241 = vector.shape_cast %add3A_237 : vector<16xf32> to vector<16xf32>
    tpu.vector_store %arg7[%swap3A_238], %swap3A_241 {strides = array<i32>} : memref<16xf32, #tpu.memory_space<vmem>>, vector<16xf32>,
    %get3A_242 = arith.constant 0 : index
    %get3A_243 = tpu.vector_load %arg7[%get3A_242] {strides = array<i32>} : memref<16xf32, #tpu.memory_space<vmem>>, vector<16xf32>,
    %get3A_244 = vector.shape_cast %get3A_243 : vector<16xf32> to vector<16xf32>
    %get3A_245 = arith.constant 160 : index
    %get3A_246 = tpu.vector_load %arg6[%get3A_245] {strides = array<i32>} : memref<512xf32, #tpu.memory_space<vmem>>, vector<16xf32>,
    %get3A_247 = vector.shape_cast %get3A_246 : vector<16xf32> to vector<16xf32>
    %add3A_248 = arith.addf %get3A_244, %get3A_247 : vector<16xf32>
    %swap3A_249 = arith.constant 0 : index
    %swap3A_250 = tpu.vector_load %arg7[%swap3A_249] {strides = array<i32>} : memref<16xf32, #tpu.memory_space<vmem>>, vector<16xf32>,
    %swap3A_251 = vector.shape_cast %swap3A_250 : vector<16xf32> to vector<16xf32>
    %swap3A_252 = vector.shape_cast %add3A_248 : vector<16xf32> to vector<16xf32>
    tpu.vector_store %arg7[%swap3A_249], %swap3A_252 {strides = array<i32>} : memref<16xf32, #tpu.memory_space<vmem>>, vector<16xf32>,
    %get3A_253 = arith.constant 0 : index
    %get3A_254 = tpu.vector_load %arg7[%get3A_253] {strides = array<i32>} : memref<16xf32, #tpu.memory_space<vmem>>, vector<16xf32>,
    %get3A_255 = vector.shape_cast %get3A_254 : vector<16xf32> to vector<16xf32>
    %get3A_256 = arith.constant 176 : index
    %get3A_257 = tpu.vector_load %arg6[%get3A_256] {strides = array<i32>} : memref<512xf32, #tpu.memory_space<vmem>>, vector<16xf32>,
    %get3A_258 = vector.shape_cast %get3A_257 : vector<16xf32> to vector<16xf32>
    %add3A_259 = arith.addf %get3A_255, %get3A_258 : vector<16xf32>
    %swap3A_260 = arith.constant 0 : index
    %swap3A_261 = tpu.vector_load %arg7[%swap3A_260] {strides = array<i32>} : memref<16xf32, #tpu.memory_space<vmem>>, vector<16xf32>,
    %swap3A_262 = vector.shape_cast %swap3A_261 : vector<16xf32> to vector<16xf32>
    %swap3A_263 = vector.shape_cast %add3A_259 : vector<16xf32> to vector<16xf32>
    tpu.vector_store %arg7[%swap3A_260], %swap3A_263 {strides = array<i32>} : memref<16xf32, #tpu.memory_space<vmem>>, vector<16xf32>,
    %get3A_264 = arith.constant 0 : index
    %get3A_265 = tpu.vector_load %arg7[%get3A_264] {strides = array<i32>} : memref<16xf32, #tpu.memory_space<vmem>>, vector<16xf32>,
    %get3A_266 = vector.shape_cast %get3A_265 : vector<16xf32> to vector<16xf32>
    %get3A_267 = arith.constant 192 : index
    %get3A_268 = tpu.vector_load %arg6[%get3A_267] {strides = array<i32>} : memref<512xf32, #tpu.memory_space<vmem>>, vector<16xf32>,
    %get3A_269 = vector.shape_cast %get3A_268 : vector<16xf32> to vector<16xf32>
    %add3A_270 = arith.addf %get3A_266, %get3A_269 : vector<16xf32>
    %swap3A_271 = arith.constant 0 : index
    %swap3A_272 = tpu.vector_load %arg7[%swap3A_271] {strides = array<i32>} : memref<16xf32, #tpu.memory_space<vmem>>, vector<16xf32>,
    %swap3A_273 = vector.shape_cast %swap3A_272 : vector<16xf32> to vector<16xf32>
    %swap3A_274 = vector.shape_cast %add3A_270 : vector<16xf32> to vector<16xf32>
    tpu.vector_store %arg7[%swap3A_271], %swap3A_274 {strides = array<i32>} : memref<16xf32, #tpu.memory_space<vmem>>, vector<16xf32>,
    %get3A_275 = arith.constant 0 : index
    %get3A_276 = tpu.vector_load %arg7[%get3A_275] {strides = array<i32>} : memref<16xf32, #tpu.memory_space<vmem>>, vector<16xf32>,
    %get3A_277 = vector.shape_cast %get3A_276 : vector<16xf32> to vector<16xf32>
    %get3A_278 = arith.constant 208 : index
    %get3A_279 = tpu.vector_load %arg6[%get3A_278] {strides = array<i32>} : memref<512xf32, #tpu.memory_space<vmem>>, vector<16xf32>,
    %get3A_280 = vector.shape_cast %get3A_279 : vector<16xf32> to vector<16xf32>
    %add3A_281 = arith.addf %get3A_277, %get3A_280 : vector<16xf32>
    %swap3A_282 = arith.constant 0 : index
    %swap3A_283 = tpu.vector_load %arg7[%swap3A_282] {strides = array<i32>} : memref<16xf32, #tpu.memory_space<vmem>>, vector<16xf32>,
    %swap3A_284 = vector.shape_cast %swap3A_283 : vector<16xf32> to vector<16xf32>
    %swap3A_285 = vector.shape_cast %add3A_281 : vector<16xf32> to vector<16xf32>
    tpu.vector_store %arg7[%swap3A_282], %swap3A_285 {strides = array<i32>} : memref<16xf32, #tpu.memory_space<vmem>>, vector<16xf32>,
    %get3A_286 = arith.constant 0 : index
    %get3A_287 = tpu.vector_load %arg7[%get3A_286] {strides = array<i32>} : memref<16xf32, #tpu.memory_space<vmem>>, vector<16xf32>,
    %get3A_288 = vector.shape_cast %get3A_287 : vector<16xf32> to vector<16xf32>
    %get3A_289 = arith.constant 224 : index
    %get3A_290 = tpu.vector_load %arg6[%get3A_289] {strides = array<i32>} : memref<512xf32, #tpu.memory_space<vmem>>, vector<16xf32>,
    %get3A_291 = vector.shape_cast %get3A_290 : vector<16xf32> to vector<16xf32>
    %add3A_292 = arith.addf %get3A_288, %get3A_291 : vector<16xf32>
    %swap3A_293 = arith.constant 0 : index
    %swap3A_294 = tpu.vector_load %arg7[%swap3A_293] {strides = array<i32>} : memref<16xf32, #tpu.memory_space<vmem>>, vector<16xf32>,
    %swap3A_295 = vector.shape_cast %swap3A_294 : vector<16xf32> to vector<16xf32>
    %swap3A_296 = vector.shape_cast %add3A_292 : vector<16xf32> to vector<16xf32>
    tpu.vector_store %arg7[%swap3A_293], %swap3A_296 {strides = array<i32>} : memref<16xf32, #tpu.memory_space<vmem>>, vector<16xf32>,
    %get3A_297 = arith.constant 0 : index
    %get3A_298 = tpu.vector_load %arg7[%get3A_297] {strides = array<i32>} : memref<16xf32, #tpu.memory_space<vmem>>, vector<16xf32>,
    %get3A_299 = vector.shape_cast %get3A_298 : vector<16xf32> to vector<16xf32>
    %get3A_300 = arith.constant 240 : index
    %get3A_301 = tpu.vector_load %arg6[%get3A_300] {strides = array<i32>} : memref<512xf32, #tpu.memory_space<vmem>>, vector<16xf32>,
    %get3A_302 = vector.shape_cast %get3A_301 : vector<16xf32> to vector<16xf32>
    %add3A_303 = arith.addf %get3A_299, %get3A_302 : vector<16xf32>
    %swap3A_304 = arith.constant 0 : index
    %swap3A_305 = tpu.vector_load %arg7[%swap3A_304] {strides = array<i32>} : memref<16xf32, #tpu.memory_space<vmem>>, vector<16xf32>,
    %swap3A_306 = vector.shape_cast %swap3A_305 : vector<16xf32> to vector<16xf32>
    %swap3A_307 = vector.shape_cast %add3A_303 : vector<16xf32> to vector<16xf32>
    tpu.vector_store %arg7[%swap3A_304], %swap3A_307 {strides = array<i32>} : memref<16xf32, #tpu.memory_space<vmem>>, vector<16xf32>,
    %dma_wait3A_308 = arith.constant 2 : i32
    %dma_wait3A_309 = arith.constant 256 : i32
    %dma_wait3A_310 = tpu.memref_slice %arg6[%dma_wait3A_309] : memref<512xf32, #tpu.memory_space<vmem>> -> memref<128xf32, #tpu.memory_space<vmem>>
    %dma_wait3A_311 = arith.constant 0 : i32
    %dma_wait3A_312 = tpu.memref_slice %arg5[%dma_wait3A_308, %dma_wait3A_311] : memref<4x128xi32, #tpu.memory_space<vmem>> -> memref<1x128xi32, #tpu.memory_space<vmem>>
    %dma_wait3A_313 = tpu.memref_squeeze %dma_wait3A_312 : memref<1x128xi32, #tpu.memory_space<vmem>> -> memref<128xi32, #tpu.memory_space<vmem>>
    %dma_wait3A_314 = arith.constant 0 : i32
    %dma_wait3A_315 = tpu.memref_slice %arg3[%dma_wait3A_314] : memref<40000xf32, #tpu.memory_space<hbm>> -> memref<40000xf32, #tpu.memory_space<hbm>>
    tpu.wait_indirect_dma semaphore(%arg9 : memref<!tpu.dma_semaphore, #tpu.memory_space<semaphore_mem>>) src(%dma_wait3A_315 : memref<40000xf32, #tpu.memory_space<hbm>>) dst(%dma_wait3A_310 : memref<128xf32, #tpu.memory_space<vmem>>)
    %get3A_316 = arith.constant 0 : index
    %get3A_317 = tpu.vector_load %arg7[%get3A_316] {strides = array<i32>} : memref<16xf32, #tpu.memory_space<vmem>>, vector<16xf32>,
    %get3A_318 = vector.shape_cast %get3A_317 : vector<16xf32> to vector<16xf32>
    %get3A_319 = arith.constant 256 : index
    %get3A_320 = tpu.vector_load %arg6[%get3A_319] {strides = array<i32>} : memref<512xf32, #tpu.memory_space<vmem>>, vector<16xf32>,
    %get3A_321 = vector.shape_cast %get3A_320 : vector<16xf32> to vector<16xf32>
    %add3A_322 = arith.addf %get3A_318, %get3A_321 : vector<16xf32>
    %swap3A_323 = arith.constant 0 : index
    %swap3A_324 = tpu.vector_load %arg7[%swap3A_323] {strides = array<i32>} : memref<16xf32, #tpu.memory_space<vmem>>, vector<16xf32>,
    %swap3A_325 = vector.shape_cast %swap3A_324 : vector<16xf32> to vector<16xf32>
    %swap3A_326 = vector.shape_cast %add3A_322 : vector<16xf32> to vector<16xf32>
    tpu.vector_store %arg7[%swap3A_323], %swap3A_326 {strides = array<i32>} : memref<16xf32, #tpu.memory_space<vmem>>, vector<16xf32>,
    %get3A_327 = arith.constant 0 : index
    %get3A_328 = tpu.vector_load %arg7[%get3A_327] {strides = array<i32>} : memref<16xf32, #tpu.memory_space<vmem>>, vector<16xf32>,
    %get3A_329 = vector.shape_cast %get3A_328 : vector<16xf32> to vector<16xf32>
    %get3A_330 = arith.constant 272 : index
    %get3A_331 = tpu.vector_load %arg6[%get3A_330] {strides = array<i32>} : memref<512xf32, #tpu.memory_space<vmem>>, vector<16xf32>,
    %get3A_332 = vector.shape_cast %get3A_331 : vector<16xf32> to vector<16xf32>
    %add3A_333 = arith.addf %get3A_329, %get3A_332 : vector<16xf32>
    %swap3A_334 = arith.constant 0 : index
    %swap3A_335 = tpu.vector_load %arg7[%swap3A_334] {strides = array<i32>} : memref<16xf32, #tpu.memory_space<vmem>>, vector<16xf32>,
    %swap3A_336 = vector.shape_cast %swap3A_335 : vector<16xf32> to vector<16xf32>
    %swap3A_337 = vector.shape_cast %add3A_333 : vector<16xf32> to vector<16xf32>
    tpu.vector_store %arg7[%swap3A_334], %swap3A_337 {strides = array<i32>} : memref<16xf32, #tpu.memory_space<vmem>>, vector<16xf32>,
    %get3A_338 = arith.constant 0 : index
    %get3A_339 = tpu.vector_load %arg7[%get3A_338] {strides = array<i32>} : memref<16xf32, #tpu.memory_space<vmem>>, vector<16xf32>,
    %get3A_340 = vector.shape_cast %get3A_339 : vector<16xf32> to vector<16xf32>
    %get3A_341 = arith.constant 288 : index
    %get3A_342 = tpu.vector_load %arg6[%get3A_341] {strides = array<i32>} : memref<512xf32, #tpu.memory_space<vmem>>, vector<16xf32>,
    %get3A_343 = vector.shape_cast %get3A_342 : vector<16xf32> to vector<16xf32>
    %add3A_344 = arith.addf %get3A_340, %get3A_343 : vector<16xf32>
    %swap3A_345 = arith.constant 0 : index
    %swap3A_346 = tpu.vector_load %arg7[%swap3A_345] {strides = array<i32>} : memref<16xf32, #tpu.memory_space<vmem>>, vector<16xf32>,
    %swap3A_347 = vector.shape_cast %swap3A_346 : vector<16xf32> to vector<16xf32>
    %swap3A_348 = vector.shape_cast %add3A_344 : vector<16xf32> to vector<16xf32>
    tpu.vector_store %arg7[%swap3A_345], %swap3A_348 {strides = array<i32>} : memref<16xf32, #tpu.memory_space<vmem>>, vector<16xf32>,
    %get3A_349 = arith.constant 0 : index
    %get3A_350 = tpu.vector_load %arg7[%get3A_349] {strides = array<i32>} : memref<16xf32, #tpu.memory_space<vmem>>, vector<16xf32>,
    %get3A_351 = vector.shape_cast %get3A_350 : vector<16xf32> to vector<16xf32>
    %get3A_352 = arith.constant 304 : index
    %get3A_353 = tpu.vector_load %arg6[%get3A_352] {strides = array<i32>} : memref<512xf32, #tpu.memory_space<vmem>>, vector<16xf32>,
    %get3A_354 = vector.shape_cast %get3A_353 : vector<16xf32> to vector<16xf32>
    %add3A_355 = arith.addf %get3A_351, %get3A_354 : vector<16xf32>
    %swap3A_356 = arith.constant 0 : index
    %swap3A_357 = tpu.vector_load %arg7[%swap3A_356] {strides = array<i32>} : memref<16xf32, #tpu.memory_space<vmem>>, vector<16xf32>,
    %swap3A_358 = vector.shape_cast %swap3A_357 : vector<16xf32> to vector<16xf32>
    %swap3A_359 = vector.shape_cast %add3A_355 : vector<16xf32> to vector<16xf32>
    tpu.vector_store %arg7[%swap3A_356], %swap3A_359 {strides = array<i32>} : memref<16xf32, #tpu.memory_space<vmem>>, vector<16xf32>,
    %get3A_360 = arith.constant 0 : index
    %get3A_361 = tpu.vector_load %arg7[%get3A_360] {strides = array<i32>} : memref<16xf32, #tpu.memory_space<vmem>>, vector<16xf32>,
    %get3A_362 = vector.shape_cast %get3A_361 : vector<16xf32> to vector<16xf32>
    %get3A_363 = arith.constant 320 : index
    %get3A_364 = tpu.vector_load %arg6[%get3A_363] {strides = array<i32>} : memref<512xf32, #tpu.memory_space<vmem>>, vector<16xf32>,
    %get3A_365 = vector.shape_cast %get3A_364 : vector<16xf32> to vector<16xf32>
    %add3A_366 = arith.addf %get3A_362, %get3A_365 : vector<16xf32>
    %swap3A_367 = arith.constant 0 : index
    %swap3A_368 = tpu.vector_load %arg7[%swap3A_367] {strides = array<i32>} : memref<16xf32, #tpu.memory_space<vmem>>, vector<16xf32>,
    %swap3A_369 = vector.shape_cast %swap3A_368 : vector<16xf32> to vector<16xf32>
    %swap3A_370 = vector.shape_cast %add3A_366 : vector<16xf32> to vector<16xf32>
    tpu.vector_store %arg7[%swap3A_367], %swap3A_370 {strides = array<i32>} : memref<16xf32, #tpu.memory_space<vmem>>, vector<16xf32>,
    %get3A_371 = arith.constant 0 : index
    %get3A_372 = tpu.vector_load %arg7[%get3A_371] {strides = array<i32>} : memref<16xf32, #tpu.memory_space<vmem>>, vector<16xf32>,
    %get3A_373 = vector.shape_cast %get3A_372 : vector<16xf32> to vector<16xf32>
    %get3A_374 = arith.constant 336 : index
    %get3A_375 = tpu.vector_load %arg6[%get3A_374] {strides = array<i32>} : memref<512xf32, #tpu.memory_space<vmem>>, vector<16xf32>,
    %get3A_376 = vector.shape_cast %get3A_375 : vector<16xf32> to vector<16xf32>
    %add3A_377 = arith.addf %get3A_373, %get3A_376 : vector<16xf32>
    %swap3A_378 = arith.constant 0 : index
    %swap3A_379 = tpu.vector_load %arg7[%swap3A_378] {strides = array<i32>} : memref<16xf32, #tpu.memory_space<vmem>>, vector<16xf32>,
    %swap3A_380 = vector.shape_cast %swap3A_379 : vector<16xf32> to vector<16xf32>
    %swap3A_381 = vector.shape_cast %add3A_377 : vector<16xf32> to vector<16xf32>
    tpu.vector_store %arg7[%swap3A_378], %swap3A_381 {strides = array<i32>} : memref<16xf32, #tpu.memory_space<vmem>>, vector<16xf32>,
    %get3A_382 = arith.constant 0 : index
    %get3A_383 = tpu.vector_load %arg7[%get3A_382] {strides = array<i32>} : memref<16xf32, #tpu.memory_space<vmem>>, vector<16xf32>,
    %get3A_384 = vector.shape_cast %get3A_383 : vector<16xf32> to vector<16xf32>
    %get3A_385 = arith.constant 352 : index
    %get3A_386 = tpu.vector_load %arg6[%get3A_385] {strides = array<i32>} : memref<512xf32, #tpu.memory_space<vmem>>, vector<16xf32>,
    %get3A_387 = vector.shape_cast %get3A_386 : vector<16xf32> to vector<16xf32>
    %add3A_388 = arith.addf %get3A_384, %get3A_387 : vector<16xf32>
    %swap3A_389 = arith.constant 0 : index
    %swap3A_390 = tpu.vector_load %arg7[%swap3A_389] {strides = array<i32>} : memref<16xf32, #tpu.memory_space<vmem>>, vector<16xf32>,
    %swap3A_391 = vector.shape_cast %swap3A_390 : vector<16xf32> to vector<16xf32>
    %swap3A_392 = vector.shape_cast %add3A_388 : vector<16xf32> to vector<16xf32>
    tpu.vector_store %arg7[%swap3A_389], %swap3A_392 {strides = array<i32>} : memref<16xf32, #tpu.memory_space<vmem>>, vector<16xf32>,
    %get3A_393 = arith.constant 0 : index
    %get3A_394 = tpu.vector_load %arg7[%get3A_393] {strides = array<i32>} : memref<16xf32, #tpu.memory_space<vmem>>, vector<16xf32>,
    %get3A_395 = vector.shape_cast %get3A_394 : vector<16xf32> to vector<16xf32>
    %get3A_396 = arith.constant 368 : index
    %get3A_397 = tpu.vector_load %arg6[%get3A_396] {strides = array<i32>} : memref<512xf32, #tpu.memory_space<vmem>>, vector<16xf32>,
    %get3A_398 = vector.shape_cast %get3A_397 : vector<16xf32> to vector<16xf32>
    %add3A_399 = arith.addf %get3A_395, %get3A_398 : vector<16xf32>
    %swap3A_400 = arith.constant 0 : index
    %swap3A_401 = tpu.vector_load %arg7[%swap3A_400] {strides = array<i32>} : memref<16xf32, #tpu.memory_space<vmem>>, vector<16xf32>,
    %swap3A_402 = vector.shape_cast %swap3A_401 : vector<16xf32> to vector<16xf32>
    %swap3A_403 = vector.shape_cast %add3A_399 : vector<16xf32> to vector<16xf32>
    tpu.vector_store %arg7[%swap3A_400], %swap3A_403 {strides = array<i32>} : memref<16xf32, #tpu.memory_space<vmem>>, vector<16xf32>,
    %dma_wait3A_404 = arith.constant 3 : i32
    %dma_wait3A_405 = arith.constant 384 : i32
    %dma_wait3A_406 = tpu.memref_slice %arg6[%dma_wait3A_405] : memref<512xf32, #tpu.memory_space<vmem>> -> memref<128xf32, #tpu.memory_space<vmem>>
    %dma_wait3A_407 = arith.constant 0 : i32
    %dma_wait3A_408 = tpu.memref_slice %arg5[%dma_wait3A_404, %dma_wait3A_407] : memref<4x128xi32, #tpu.memory_space<vmem>> -> memref<1x128xi32, #tpu.memory_space<vmem>>
    %dma_wait3A_409 = tpu.memref_squeeze %dma_wait3A_408 : memref<1x128xi32, #tpu.memory_space<vmem>> -> memref<128xi32, #tpu.memory_space<vmem>>
    %dma_wait3A_410 = arith.constant 0 : i32
    %dma_wait3A_411 = tpu.memref_slice %arg3[%dma_wait3A_410] : memref<40000xf32, #tpu.memory_space<hbm>> -> memref<40000xf32, #tpu.memory_space<hbm>>
    tpu.wait_indirect_dma semaphore(%arg9 : memref<!tpu.dma_semaphore, #tpu.memory_space<semaphore_mem>>) src(%dma_wait3A_411 : memref<40000xf32, #tpu.memory_space<hbm>>) dst(%dma_wait3A_406 : memref<128xf32, #tpu.memory_space<vmem>>)
    %get3A_412 = arith.constant 0 : index
    %get3A_413 = tpu.vector_load %arg7[%get3A_412] {strides = array<i32>} : memref<16xf32, #tpu.memory_space<vmem>>, vector<16xf32>,
    %get3A_414 = vector.shape_cast %get3A_413 : vector<16xf32> to vector<16xf32>
    %get3A_415 = arith.constant 384 : index
    %get3A_416 = tpu.vector_load %arg6[%get3A_415] {strides = array<i32>} : memref<512xf32, #tpu.memory_space<vmem>>, vector<16xf32>,
    %get3A_417 = vector.shape_cast %get3A_416 : vector<16xf32> to vector<16xf32>
    %add3A_418 = arith.addf %get3A_414, %get3A_417 : vector<16xf32>
    %swap3A_419 = arith.constant 0 : index
    %swap3A_420 = tpu.vector_load %arg7[%swap3A_419] {strides = array<i32>} : memref<16xf32, #tpu.memory_space<vmem>>, vector<16xf32>,
    %swap3A_421 = vector.shape_cast %swap3A_420 : vector<16xf32> to vector<16xf32>
    %swap3A_422 = vector.shape_cast %add3A_418 : vector<16xf32> to vector<16xf32>
    tpu.vector_store %arg7[%swap3A_419], %swap3A_422 {strides = array<i32>} : memref<16xf32, #tpu.memory_space<vmem>>, vector<16xf32>,
    %get3A_423 = arith.constant 0 : index
    %get3A_424 = tpu.vector_load %arg7[%get3A_423] {strides = array<i32>} : memref<16xf32, #tpu.memory_space<vmem>>, vector<16xf32>,
    %get3A_425 = vector.shape_cast %get3A_424 : vector<16xf32> to vector<16xf32>
    %get3A_426 = arith.constant 400 : index
    %get3A_427 = tpu.vector_load %arg6[%get3A_426] {strides = array<i32>} : memref<512xf32, #tpu.memory_space<vmem>>, vector<16xf32>,
    %get3A_428 = vector.shape_cast %get3A_427 : vector<16xf32> to vector<16xf32>
    %add3A_429 = arith.addf %get3A_425, %get3A_428 : vector<16xf32>
    %swap3A_430 = arith.constant 0 : index
    %swap3A_431 = tpu.vector_load %arg7[%swap3A_430] {strides = array<i32>} : memref<16xf32, #tpu.memory_space<vmem>>, vector<16xf32>,
    %swap3A_432 = vector.shape_cast %swap3A_431 : vector<16xf32> to vector<16xf32>
    %swap3A_433 = vector.shape_cast %add3A_429 : vector<16xf32> to vector<16xf32>
    tpu.vector_store %arg7[%swap3A_430], %swap3A_433 {strides = array<i32>} : memref<16xf32, #tpu.memory_space<vmem>>, vector<16xf32>,
    %get3A_434 = arith.constant 0 : index
    %get3A_435 = tpu.vector_load %arg7[%get3A_434] {strides = array<i32>} : memref<16xf32, #tpu.memory_space<vmem>>, vector<16xf32>,
    %get3A_436 = vector.shape_cast %get3A_435 : vector<16xf32> to vector<16xf32>
    %get3A_437 = arith.constant 416 : index
    %get3A_438 = tpu.vector_load %arg6[%get3A_437] {strides = array<i32>} : memref<512xf32, #tpu.memory_space<vmem>>, vector<16xf32>,
    %get3A_439 = vector.shape_cast %get3A_438 : vector<16xf32> to vector<16xf32>
    %add3A_440 = arith.addf %get3A_436, %get3A_439 : vector<16xf32>
    %swap3A_441 = arith.constant 0 : index
    %swap3A_442 = tpu.vector_load %arg7[%swap3A_441] {strides = array<i32>} : memref<16xf32, #tpu.memory_space<vmem>>, vector<16xf32>,
    %swap3A_443 = vector.shape_cast %swap3A_442 : vector<16xf32> to vector<16xf32>
    %swap3A_444 = vector.shape_cast %add3A_440 : vector<16xf32> to vector<16xf32>
    tpu.vector_store %arg7[%swap3A_441], %swap3A_444 {strides = array<i32>} : memref<16xf32, #tpu.memory_space<vmem>>, vector<16xf32>,
    %get3A_445 = arith.constant 0 : index
    %get3A_446 = tpu.vector_load %arg7[%get3A_445] {strides = array<i32>} : memref<16xf32, #tpu.memory_space<vmem>>, vector<16xf32>,
    %get3A_447 = vector.shape_cast %get3A_446 : vector<16xf32> to vector<16xf32>
    %get3A_448 = arith.constant 432 : index
    %get3A_449 = tpu.vector_load %arg6[%get3A_448] {strides = array<i32>} : memref<512xf32, #tpu.memory_space<vmem>>, vector<16xf32>,
    %get3A_450 = vector.shape_cast %get3A_449 : vector<16xf32> to vector<16xf32>
    %add3A_451 = arith.addf %get3A_447, %get3A_450 : vector<16xf32>
    %swap3A_452 = arith.constant 0 : index
    %swap3A_453 = tpu.vector_load %arg7[%swap3A_452] {strides = array<i32>} : memref<16xf32, #tpu.memory_space<vmem>>, vector<16xf32>,
    %swap3A_454 = vector.shape_cast %swap3A_453 : vector<16xf32> to vector<16xf32>
    %swap3A_455 = vector.shape_cast %add3A_451 : vector<16xf32> to vector<16xf32>
    tpu.vector_store %arg7[%swap3A_452], %swap3A_455 {strides = array<i32>} : memref<16xf32, #tpu.memory_space<vmem>>, vector<16xf32>,
    %get3A_456 = arith.constant 0 : index
    %get3A_457 = tpu.vector_load %arg7[%get3A_456] {strides = array<i32>} : memref<16xf32, #tpu.memory_space<vmem>>, vector<16xf32>,
    %get3A_458 = vector.shape_cast %get3A_457 : vector<16xf32> to vector<16xf32>
    %get3A_459 = arith.constant 448 : index
    %get3A_460 = tpu.vector_load %arg6[%get3A_459] {strides = array<i32>} : memref<512xf32, #tpu.memory_space<vmem>>, vector<16xf32>,
    %get3A_461 = vector.shape_cast %get3A_460 : vector<16xf32> to vector<16xf32>
    %add3A_462 = arith.addf %get3A_458, %get3A_461 : vector<16xf32>
    %swap3A_463 = arith.constant 0 : index
    %swap3A_464 = tpu.vector_load %arg7[%swap3A_463] {strides = array<i32>} : memref<16xf32, #tpu.memory_space<vmem>>, vector<16xf32>,
    %swap3A_465 = vector.shape_cast %swap3A_464 : vector<16xf32> to vector<16xf32>
    %swap3A_466 = vector.shape_cast %add3A_462 : vector<16xf32> to vector<16xf32>
    tpu.vector_store %arg7[%swap3A_463], %swap3A_466 {strides = array<i32>} : memref<16xf32, #tpu.memory_space<vmem>>, vector<16xf32>,
    %get3A_467 = arith.constant 0 : index
    %get3A_468 = tpu.vector_load %arg7[%get3A_467] {strides = array<i32>} : memref<16xf32, #tpu.memory_space<vmem>>, vector<16xf32>,
    %get3A_469 = vector.shape_cast %get3A_468 : vector<16xf32> to vector<16xf32>
    %get3A_470 = arith.constant 464 : index
    %get3A_471 = tpu.vector_load %arg6[%get3A_470] {strides = array<i32>} : memref<512xf32, #tpu.memory_space<vmem>>, vector<16xf32>,
    %get3A_472 = vector.shape_cast %get3A_471 : vector<16xf32> to vector<16xf32>
    %add3A_473 = arith.addf %get3A_469, %get3A_472 : vector<16xf32>
    %swap3A_474 = arith.constant 0 : index
    %swap3A_475 = tpu.vector_load %arg7[%swap3A_474] {strides = array<i32>} : memref<16xf32, #tpu.memory_space<vmem>>, vector<16xf32>,
    %swap3A_476 = vector.shape_cast %swap3A_475 : vector<16xf32> to vector<16xf32>
    %swap3A_477 = vector.shape_cast %add3A_473 : vector<16xf32> to vector<16xf32>
    tpu.vector_store %arg7[%swap3A_474], %swap3A_477 {strides = array<i32>} : memref<16xf32, #tpu.memory_space<vmem>>, vector<16xf32>,
    %get3A_478 = arith.constant 0 : index
    %get3A_479 = tpu.vector_load %arg7[%get3A_478] {strides = array<i32>} : memref<16xf32, #tpu.memory_space<vmem>>, vector<16xf32>,
    %get3A_480 = vector.shape_cast %get3A_479 : vector<16xf32> to vector<16xf32>
    %get3A_481 = arith.constant 480 : index
    %get3A_482 = tpu.vector_load %arg6[%get3A_481] {strides = array<i32>} : memref<512xf32, #tpu.memory_space<vmem>>, vector<16xf32>,
    %get3A_483 = vector.shape_cast %get3A_482 : vector<16xf32> to vector<16xf32>
    %add3A_484 = arith.addf %get3A_480, %get3A_483 : vector<16xf32>
    %swap3A_485 = arith.constant 0 : index
    %swap3A_486 = tpu.vector_load %arg7[%swap3A_485] {strides = array<i32>} : memref<16xf32, #tpu.memory_space<vmem>>, vector<16xf32>,
    %swap3A_487 = vector.shape_cast %swap3A_486 : vector<16xf32> to vector<16xf32>
    %swap3A_488 = vector.shape_cast %add3A_484 : vector<16xf32> to vector<16xf32>
    tpu.vector_store %arg7[%swap3A_485], %swap3A_488 {strides = array<i32>} : memref<16xf32, #tpu.memory_space<vmem>>, vector<16xf32>,
    %get3A_489 = arith.constant 0 : index
    %get3A_490 = tpu.vector_load %arg7[%get3A_489] {strides = array<i32>} : memref<16xf32, #tpu.memory_space<vmem>>, vector<16xf32>,
    %get3A_491 = vector.shape_cast %get3A_490 : vector<16xf32> to vector<16xf32>
    %get3A_492 = arith.constant 496 : index
    %get3A_493 = tpu.vector_load %arg6[%get3A_492] {strides = array<i32>} : memref<512xf32, #tpu.memory_space<vmem>>, vector<16xf32>,
    %get3A_494 = vector.shape_cast %get3A_493 : vector<16xf32> to vector<16xf32>
    %add3A_495 = arith.addf %get3A_491, %get3A_494 : vector<16xf32>
    %swap3A_496 = arith.constant 0 : index
    %swap3A_497 = tpu.vector_load %arg7[%swap3A_496] {strides = array<i32>} : memref<16xf32, #tpu.memory_space<vmem>>, vector<16xf32>,
    %swap3A_498 = vector.shape_cast %swap3A_497 : vector<16xf32> to vector<16xf32>
    %swap3A_499 = vector.shape_cast %add3A_495 : vector<16xf32> to vector<16xf32>
    tpu.vector_store %arg7[%swap3A_496], %swap3A_499 {strides = array<i32>} : memref<16xf32, #tpu.memory_space<vmem>>, vector<16xf32>,
    "tpu.region"() ({
      %run_scoped3A = tpu.sem_alloc : memref<!tpu.dma_semaphore, #tpu.memory_space<semaphore_mem>>
      %dma_start3A_500 = arith.constant 0 : i32
      %dma_start3A_501 = tpu.memref_slice %arg4[%add3A, %dma_start3A_500] : memref<32x16xf32, #tpu.memory_space<hbm>> -> memref<1x16xf32, #tpu.memory_space<hbm>>
      %dma_start3A_502 = tpu.memref_squeeze %dma_start3A_501 : memref<1x16xf32, #tpu.memory_space<hbm>> -> memref<16xf32, #tpu.memory_space<hbm>>
      %dma_start3A_503 = arith.constant 0 : i32
      %dma_start3A_504 = tpu.memref_slice %arg4[%add3A, %dma_start3A_503] : memref<32x16xf32, #tpu.memory_space<hbm>> -> memref<1x16xf32, #tpu.memory_space<hbm>>
      %dma_start3A_505 = tpu.memref_squeeze %dma_start3A_504 : memref<1x16xf32, #tpu.memory_space<hbm>> -> memref<16xf32, #tpu.memory_space<hbm>>
      tpu.enqueue_dma source(%arg7 : memref<16xf32, #tpu.memory_space<vmem>>) target(%dma_start3A_505 : memref<16xf32, #tpu.memory_space<hbm>>) target_semaphore(%run_scoped3A : memref<!tpu.dma_semaphore, #tpu.memory_space<semaphore_mem>>)
      %dma_wait3A_506 = arith.constant 0 : i32
      %dma_wait3A_507 = tpu.memref_slice %arg4[%add3A, %dma_wait3A_506] : memref<32x16xf32, #tpu.memory_space<hbm>> -> memref<1x16xf32, #tpu.memory_space<hbm>>
      %dma_wait3A_508 = tpu.memref_squeeze %dma_wait3A_507 : memref<1x16xf32, #tpu.memory_space<hbm>> -> memref<16xf32, #tpu.memory_space<hbm>>
      %dma_wait3A_509 = arith.constant 0 : i32
      %dma_wait3A_510 = tpu.memref_slice %arg4[%add3A, %dma_wait3A_509] : memref<32x16xf32, #tpu.memory_space<hbm>> -> memref<1x16xf32, #tpu.memory_space<hbm>>
      %dma_wait3A_511 = tpu.memref_squeeze %dma_wait3A_510 : memref<1x16xf32, #tpu.memory_space<hbm>> -> memref<16xf32, #tpu.memory_space<hbm>>
      tpu.wait_dma2 semaphore(%run_scoped3A : memref<!tpu.dma_semaphore, #tpu.memory_space<semaphore_mem>>) src(%arg7 : memref<16xf32, #tpu.memory_space<vmem>>) dst(%dma_wait3A_511 : memref<16xf32, #tpu.memory_space<hbm>>)
      tpu.yield
    }) : () -> ()
    return
  }
}

module attributes {stable_mosaic.version = 14 : i64} {
  func.func @body(%arg0: memref<200x200xf32, #tpu.memory_space<vmem>>, %arg1: memref<32x16xf32, #tpu.memory_space<vmem>>, %arg2: memref<1x1xf32, #tpu.memory_space<vmem>>) attributes {dimension_semantics = [], scalar_prefetch = 0 : i64, scratch_operands = 0 : i64, tpu.core_type = #tpu.core_type<tc>} {
    %get3A = arith.constant 0 : index
    %get3A_0 = arith.constant 0 : index
    %get3A_1 = vector.load %arg0[%get3A, %get3A_0] : memref<200x200xf32, #tpu.memory_space<vmem>>, vector<200x200xf32>
    %neg3A = arith.constant 0.000000e+00 : f32
    %neg3A_2 = vector.broadcast %neg3A : f32 to vector<200x200xf32>
    %neg3A_3 = arith.subf %neg3A_2, %get3A_1 : vector<200x200xf32>
    %exp3A = math.exp %neg3A_3 : vector<200x200xf32>
    %reduce_sum3A = vector.shape_cast %exp3A : vector<200x200xf32> to vector<1x200x200xf32>
    %reduce_sum3A_4 = arith.constant dense<0.000000e+00> : vector<1xf32>
    %reduce_sum3A_5 = vector.multi_reduction <add>, %reduce_sum3A, %reduce_sum3A_4 [1, 2] : vector<1x200x200xf32> to vector<1xf32>
    %reduce_sum3A_6 = vector.shape_cast %reduce_sum3A_5 : vector<1xf32> to vector<1x1x1xf32>
    %reduce_sum3A_7 = vector.extract %reduce_sum3A_6[0, 0, 0] : f32 from vector<1x1x1xf32>
    %get3A_8 = arith.constant 0 : index
    %get3A_9 = arith.constant 0 : index
    %get3A_10 = vector.load %arg1[%get3A_8, %get3A_9] : memref<32x16xf32, #tpu.memory_space<vmem>>, vector<32x16xf32>
    %reduce_sum3A_11 = vector.shape_cast %get3A_10 : vector<32x16xf32> to vector<1x32x16xf32>
    %reduce_sum3A_12 = arith.constant dense<0.000000e+00> : vector<1xf32>
    %reduce_sum3A_13 = vector.multi_reduction <add>, %reduce_sum3A_11, %reduce_sum3A_12 [1, 2] : vector<1x32x16xf32> to vector<1xf32>
    %reduce_sum3A_14 = vector.shape_cast %reduce_sum3A_13 : vector<1xf32> to vector<1x1x1xf32>
    %reduce_sum3A_15 = vector.extract %reduce_sum3A_14[0, 0, 0] : f32 from vector<1x1x1xf32>
    %mul3A = arith.constant 6.10351563E-5 : f32
    %mul3A_16 = arith.mulf %reduce_sum3A_15, %mul3A : f32
    %neg3A_17 = arith.constant 0.000000e+00 : f32
    %neg3A_18 = arith.subf %neg3A_17, %mul3A_16 : f32
    %log3A = math.log %reduce_sum3A_7 : f32
    %sub3A = arith.subf %neg3A_18, %log3A : f32
    %sub3A_19 = arith.constant -5.99146461 : f32
    %sub3A_20 = arith.subf %sub3A, %sub3A_19 : f32
    %reshape3A = vector.broadcast %sub3A_20 : f32 to vector<1x1xf32>
    %swap3A = arith.constant 0 : index
    %swap3A_21 = arith.constant 0 : index
    %swap3A_22 = vector.load %arg2[%swap3A, %swap3A_21] : memref<1x1xf32, #tpu.memory_space<vmem>>, vector<1x1xf32>
    tpu.vector_store %arg2[%swap3A, %swap3A_21], %reshape3A {strides = array<i32>} : memref<1x1xf32, #tpu.memory_space<vmem>>, vector<1x1xf32>,
    return
  }
}

module attributes {stable_mosaic.version = 14 : i64} {
  func.func @body(%arg0: i32, %arg1: memref<2x2048xf32, #tpu.memory_space<vmem>>, %arg2: memref<256x1xf32, #tpu.memory_space<vmem>>, %arg3: memref<256x1xf32, #tpu.memory_space<vmem>>, %arg4: memref<2048xi32, #tpu.memory_space<vmem>>) attributes {dimension_semantics = [#tpu.dimension_semantics<arbitrary>], iteration_bounds = array<i64: 8>, scalar_prefetch = 0 : i64, scratch_operands = 0 : i64, tpu.core_type = #tpu.core_type<tc>, window_params = [{transform_indices = @transform_0, window_bounds = array<i64: 2, 2048>}, {pipeline_mode = #tpu.pipeline_mode<synchronous>, transform_indices = @transform_1, window_bounds = array<i64: 256, 1>}, {pipeline_mode = #tpu.pipeline_mode<synchronous>, transform_indices = @transform_2, window_bounds = array<i64: 256, 1>}, {transform_indices = @transform_3, window_bounds = array<i64: 2048>}]} {
    %get3A = arith.constant 0 : index
    %get3A_0 = arith.constant 0 : index
    %get3A_1 = vector.load %arg1[%get3A, %get3A_0] : memref<2x2048xf32, #tpu.memory_space<vmem>>, vector<1x2048xf32>
    %get3A_2 = vector.shape_cast %get3A_1 : vector<1x2048xf32> to vector<2048xf32>
    %broadcast_in_dim3A = vector.shape_cast %get3A_2 : vector<2048xf32> to vector<1x2048xf32>
    %get3A_3 = arith.constant 1 : index
    %get3A_4 = arith.constant 0 : index
    %get3A_5 = vector.load %arg1[%get3A_3, %get3A_4] : memref<2x2048xf32, #tpu.memory_space<vmem>>, vector<1x2048xf32>
    %get3A_6 = vector.shape_cast %get3A_5 : vector<1x2048xf32> to vector<2048xf32>
    %broadcast_in_dim3A_7 = vector.shape_cast %get3A_6 : vector<2048xf32> to vector<1x2048xf32>
    %convert_element_type3A = arith.truncf %broadcast_in_dim3A : vector<1x2048xf32> to vector<1x2048xbf16>
    %convert_element_type3A_8 = arith.extf %convert_element_type3A : vector<1x2048xbf16> to vector<1x2048xf32>
    %convert_element_type3A_9 = arith.truncf %broadcast_in_dim3A_7 : vector<1x2048xf32> to vector<1x2048xbf16>
    %convert_element_type3A_10 = arith.extf %convert_element_type3A_9 : vector<1x2048xbf16> to vector<1x2048xf32>
    %mul3A = arith.mulf %broadcast_in_dim3A, %broadcast_in_dim3A : vector<1x2048xf32>
    %mul3A_11 = arith.mulf %broadcast_in_dim3A_7, %broadcast_in_dim3A_7 : vector<1x2048xf32>
    %add3A = arith.addf %mul3A, %mul3A_11 : vector<1x2048xf32>
    %get3A_12 = arith.constant 0 : index
    %get3A_13 = arith.constant 0 : index
    %get3A_14 = vector.load %arg2[%get3A_12, %get3A_13] : memref<256x1xf32, #tpu.memory_space<vmem>>, vector<256x1xf32>
    %get3A_15 = arith.constant 0 : index
    %get3A_16 = arith.constant 0 : index
    %get3A_17 = vector.load %arg3[%get3A_15, %get3A_16] : memref<256x1xf32, #tpu.memory_space<vmem>>, vector<256x1xf32>
    %iota3A = tpu.iota {dimensions = array<i32: 0>} : vector<256x2048xi32>
    %mul3A_18 = vector.broadcast %convert_element_type3A_8 : vector<1x2048xf32> to vector<256x2048xf32>
    %mul3A_19 = vector.broadcast %get3A_17 : vector<256x1xf32> to vector<256x2048xf32>
    %mul3A_20 = arith.mulf %mul3A_18, %mul3A_19 : vector<256x2048xf32>
    %mul3A_21 = arith.constant 2.000000e+00 : f32
    %mul3A_22 = vector.broadcast %mul3A_21 : f32 to vector<256x2048xf32>
    %mul3A_23 = arith.mulf %mul3A_22, %mul3A_20 : vector<256x2048xf32>
    %sub3A = vector.broadcast %get3A_14 : vector<256x1xf32> to vector<256x2048xf32>
    %sub3A_24 = arith.subf %sub3A, %mul3A_23 : vector<256x2048xf32>
    %mul3A_25 = vector.broadcast %convert_element_type3A_10 : vector<1x2048xf32> to vector<256x2048xf32>
    %mul3A_26 = vector.broadcast %get3A_17 : vector<256x1xf32> to vector<256x2048xf32>
    %mul3A_27 = arith.mulf %mul3A_25, %mul3A_26 : vector<256x2048xf32>
    %mul3A_28 = arith.constant 2.000000e+00 : f32
    %mul3A_29 = vector.broadcast %mul3A_28 : f32 to vector<256x2048xf32>
    %mul3A_30 = arith.mulf %mul3A_29, %mul3A_27 : vector<256x2048xf32>
    %sub3A_31 = vector.broadcast %get3A_14 : vector<256x1xf32> to vector<256x2048xf32>
    %sub3A_32 = arith.subf %sub3A_31, %mul3A_30 : vector<256x2048xf32>
    %reduce_min3A = arith.constant dense<0x7F800000> : vector<2048xf32>
    %reduce_min3A_33 = vector.multi_reduction <minimumf>, %sub3A_24, %reduce_min3A [0] : vector<256x2048xf32> to vector<2048xf32>
    %broadcast_in_dim3A_34 = vector.shape_cast %reduce_min3A_33 : vector<2048xf32> to vector<1x2048xf32>
    %reduce_min3A_35 = arith.constant dense<0x7F800000> : vector<2048xf32>
    %reduce_min3A_36 = vector.multi_reduction <minimumf>, %sub3A_32, %reduce_min3A_35 [0] : vector<256x2048xf32> to vector<2048xf32>
    %broadcast_in_dim3A_37 = vector.shape_cast %reduce_min3A_36 : vector<2048xf32> to vector<1x2048xf32>
    %add3A_38 = arith.addf %add3A, %broadcast_in_dim3A_37 : vector<1x2048xf32>
    %neg3A = arith.constant 0.000000e+00 : f32
    %neg3A_39 = vector.broadcast %neg3A : f32 to vector<1x2048xf32>
    %neg3A_40 = arith.subf %neg3A_39, %add3A_38 : vector<1x2048xf32>
    %max3A = arith.maximumf %broadcast_in_dim3A_34, %neg3A_40 : vector<1x2048xf32>
    %le3A = vector.broadcast %max3A : vector<1x2048xf32> to vector<256x2048xf32>
    %le3A_41 = arith.cmpf ole, %sub3A_24, %le3A : vector<256x2048xf32>
    %jit3A = arith.constant 1073741824 : i32
    %broadcast_in_dim3A_42 = vector.broadcast %jit3A : i32 to vector<256x2048xi32>
    %select_n3A = arith.select %le3A_41, %iota3A, %broadcast_in_dim3A_42 : vector<256x2048xi1>, vector<256x2048xi32>
    %reduce_min3A_43 = arith.constant dense<2147483647> : vector<2048xi32>
    %reduce_min3A_44 = vector.multi_reduction <minsi>, %select_n3A, %reduce_min3A_43 [0] : vector<256x2048xi32> to vector<2048xi32>
    %broadcast_in_dim3A_45 = vector.shape_cast %reduce_min3A_44 : vector<2048xi32> to vector<1x2048xi32>
    %eq3A = vector.broadcast %broadcast_in_dim3A_45 : vector<1x2048xi32> to vector<256x2048xi32>
    %eq3A_46 = arith.cmpi eq, %iota3A, %eq3A : vector<256x2048xi32>
    %jit3A_47 = arith.constant 0.000000e+00 : f32
    %broadcast_in_dim3A_48 = vector.broadcast %jit3A_47 : f32 to vector<256x2048xf32>
    %select_n3A_49 = arith.select %eq3A_46, %sub3A_24, %broadcast_in_dim3A_48 : vector<256x2048xi1>, vector<256x2048xf32>
    %reduce_sum3A = arith.constant dense<0.000000e+00> : vector<2048xf32>
    %reduce_sum3A_50 = vector.multi_reduction <add>, %select_n3A_49, %reduce_sum3A [0] : vector<256x2048xf32> to vector<2048xf32>
    %broadcast_in_dim3A_51 = vector.shape_cast %reduce_sum3A_50 : vector<2048xf32> to vector<1x2048xf32>
    %add3A_52 = arith.addf %add3A, %broadcast_in_dim3A_51 : vector<1x2048xf32>
    %neg3A_53 = arith.constant 0.000000e+00 : f32
    %neg3A_54 = vector.broadcast %neg3A_53 : f32 to vector<1x2048xf32>
    %neg3A_55 = arith.subf %neg3A_54, %add3A_52 : vector<1x2048xf32>
    %max3A_56 = arith.maximumf %broadcast_in_dim3A_37, %neg3A_55 : vector<1x2048xf32>
    %le3A_57 = vector.broadcast %max3A_56 : vector<1x2048xf32> to vector<256x2048xf32>
    %le3A_58 = arith.cmpf ole, %sub3A_32, %le3A_57 : vector<256x2048xf32>
    %jit3A_59 = arith.constant 1073741824 : i32
    %broadcast_in_dim3A_60 = vector.broadcast %jit3A_59 : i32 to vector<256x2048xi32>
    %select_n3A_61 = arith.select %le3A_58, %iota3A, %broadcast_in_dim3A_60 : vector<256x2048xi1>, vector<256x2048xi32>
    %reduce_min3A_62 = arith.constant dense<2147483647> : vector<2048xi32>
    %reduce_min3A_63 = vector.multi_reduction <minsi>, %select_n3A_61, %reduce_min3A_62 [0] : vector<256x2048xi32> to vector<2048xi32>
    %broadcast_in_dim3A_64 = vector.shape_cast %reduce_min3A_63 : vector<2048xi32> to vector<1x2048xi32>
    %mul3A_65 = arith.constant 200 : i32
    %mul3A_66 = vector.broadcast %mul3A_65 : i32 to vector<1x2048xi32>
    %mul3A_67 = arith.muli %broadcast_in_dim3A_45, %mul3A_66 : vector<1x2048xi32>
    %add3A_68 = arith.addi %mul3A_67, %broadcast_in_dim3A_64 : vector<1x2048xi32>
    %reshape3A = vector.shape_cast %add3A_68 : vector<1x2048xi32> to vector<2048xi32>
    %swap3A = arith.constant 0 : index
    %swap3A_69 = vector.load %arg4[%swap3A] : memref<2048xi32, #tpu.memory_space<vmem>>, vector<2048xi32>
    tpu.vector_store %arg4[%swap3A], %reshape3A {strides = array<i32>} : memref<2048xi32, #tpu.memory_space<vmem>>, vector<2048xi32>,
    return
  }
  func.func @transform_0(%arg0: i32) -> (i32, i32) {
    %c0_i32 = arith.constant 0 : i32
    %c0_i32_0 = arith.constant 0 : i32
    return %c0_i32, %arg0 : i32, i32
  }
  func.func @transform_1(%arg0: i32) -> (i32, i32) {
    %c0_i32 = arith.constant 0 : i32
    %c0_i32_0 = arith.constant 0 : i32
    %c0_i32_1 = arith.constant 0 : i32
    return %c0_i32, %c0_i32_0 : i32, i32
  }
  func.func @transform_2(%arg0: i32) -> (i32, i32) {
    %c0_i32 = arith.constant 0 : i32
    %c0_i32_0 = arith.constant 0 : i32
    %c0_i32_1 = arith.constant 0 : i32
    return %c0_i32, %c0_i32_0 : i32, i32
  }
  func.func @transform_3(%arg0: i32) -> i32 {
    %c0_i32 = arith.constant 0 : i32
    return %arg0 : i32
  }
}

</mosaic_0001>

<sc_bundles>
// kernel: kernel.5.cloned.1.call-start
scs
__scs_entry_jumppad:
0x0: {  	(pc) =	sbr.rel $0x88, $3  }
0x1: {  	(tag) =	ssettag $0x0;
	lr =	simm.s32 $0x1  }
0x2: {  	[smem:$0x3F9F] =	sst lr;
	_ =	strace $0xD0000000  }
0x3: {  	_ = 	snop  }
0x4: {  	_ = 	snop  }
0x5: {  	_ = 	snop  }
0x6: {  	_ = 	snop  }
0x7: {  	_ = 	snop  }
__scs_overlays_trampoline_lowered:
0x8: {  	[smem:$0x3FAE] =	sst s0  }
0x9: {  	[smem:$0x3FAF] =	sst s1  }
0xa: {  	[smem:$0x3FB0] =	sst s2  }
0xb: {  	[smem:$0x3FB1] =	sst s3  }
0xc: {  	[smem:$0x3FB2] =	sst s4  }
0xd: {  	[smem:$0x3FB3] =	sst s5  }
0xe: {  	[smem:$0x3FB4] =	sst s6  }
0xf: {  	[smem:$0x3FB5] =	sst s7  }
0x10: {  	[smem:$0x3FB6] =	sst s8  }
0x11: {  	[smem:$0x3FB7] =	sst s9;
	s0 =	simm.s32 @!p0 $0x0  }
0x12: {  	s1 =	sld [smem:$0x3F9D];
	s0 =	simm.s32 @p0 $0x1  }
0x13: {  	[smem:$0x3FB8] =	sst s0;
	s0 =	simm.s32 @!p1 $0x0  }
0x14: {  	s2 =	sld [smem:$0x3F9C];
	s0 =	simm.s32 @p1 $0x1  }
0x15: {  	[smem:$0x3FB9] =	sst s0;
	s0 =	simm.s32 @!p2 $0x0  }
0x16: {  	s3 =	sld [smem:$0x3FDB];
	s0 =	simm.s32 @p2 $0x1  }
0x17: {  	s4 =	simm.s32 $0x1BF5;
	[smem:$0x3FBB] =	sst s0  }
0x18: {  	s0 =	sld [smem:$0x3F9E];
	_ =	swait.ge [sflag:s4], $0x0  }
0x19: {  	s7 =	sld [smem:$0x3F9F]  }
0x1a: {  	s8 =	sadd.s32 $0xFFFFE003, lr  }
0x1b: {  	s9 =	sadd.s32 $0xFFFFFEF7, lr;
	s5 =	simm.s32 $0xFFFFFFFF;
	p2 =	slt.u32 s8, $0xFFFFF086  }
0x1c: {  	p1 =	slt.u32 s9, $0xF7A;
	s5 =	simm.s32 @!p2 $0x0  }
0x1d: {  	s5 =	simm.s32 @p1 $0x1;
	p0 =	seq.s32 s7, s2  }
0x1e: {  	s7 =	smul.u32 @!p0 $0xF7A, s2;
	p2 =	seq.s32 @!p0 s5, $0x0  }
0x1f: {  	s9 =	smul.u32 $0xF7A, s1;
	s8 =	simm.s32 @!p0 $0x1BF5;
	p2 =	por !p2, p0  }
0x20: {  	[sflag:s8] =	ssyncset.s32 @!p0 $0xFFFFF086;
	s6 =	sadd.s32 @!p0 s3, s7;
	s7 =	simm.s32 @!p0 $0x108  }
0x21: {  	s3 =	sadd.s32 s3, s9;
	s6 =	sadd.s32 @!p0 $0x88, s6;
	s7 =	simm.s32 @p2 $0x1082  }
0x22: {  	[simem:s7], [sflag:s8] =	dma.local @!p0 [hbm:s6], $0xF7A  }
0x23: {  	s9 =	sor.u32 $0xD0000000, s2;
	s6 =	simm.s32 $0x108;
	_ =	swait.ge @!p0 [sflag:s8], $0x0  }
0x24: {  	s3 =	sadd.s32 $0x88, s3;
	s6 =	simm.s32 @!p1 $0x1082;
	[sflag:s4] =	ssyncset.s32 $0xFFFFF086  }
0x25: {  	[simem:s6], [sflag:s4] =	dma.local [hbm:s3], $0xF7A  }
0x26: {  	[smem:$0x3F9F] =	sst s1;
	(tag) =	ssettag s2;
	_ =	strace s9  }
0x27: {  	s1 =	sld [smem:$0x3FAF]  }
0x28: {  	s2 =	sld [smem:$0x3FB0]  }
0x29: {  	s4 =	sld [smem:$0x3FB2]  }
0x2a: {  	p0 =	seq.s32 s5, $0x0;
	s5 =	sld [smem:$0x3FB3]  }
0x2b: {  	s6 =	sld [smem:$0x3FB4]  }
0x2c: {  	s7 =	sld [smem:$0x3FB5]  }
0x2d: {  	s3 =	simm.s32 $0x108;
	s8 =	sld [smem:$0x3FB6]  }
0x2e: {  	s3 =	simm.s32 @!p0 $0x1082;
	s9 =	sld [smem:$0x3FB7]  }
0x2f: {  	lr =	sadd.s32 s0, s3;
	s0 =	sld [smem:$0x3FAE]  }
0x30: {  	s3 =	sld [smem:$0x3FB1]  }
0x31: {  	[smem:$0x3FBA] =	sst s10  }
0x32: {  	s10 =	sld [smem:$0x3FB8];
	_ =	sdelay $0x3  }
0x33: {  	p0 =	seq.s32 s10, $0x1;
	s10 =	sld [smem:$0x3FBA];
	_ =	sdelay $0x3  }
0x34: {  	[smem:$0x3FBA] =	sst s10  }
0x35: {  	s10 =	sld [smem:$0x3FB9];
	_ =	sdelay $0x3  }
0x36: {  	p1 =	seq.s32 s10, $0x1;
	s10 =	sld [smem:$0x3FBA];
	_ =	sdelay $0x3  }
0x37: {  	[smem:$0x3FBA] =	sst s10  }
0x38: {  	s10 =	sld [smem:$0x3FBB]  }
0x39: {  	_ = 	snop;
	(pc) =	sbr.ind lr, $3  }
0x3a: {  	_ = 	snop  }
0x3b: {  	_ = 	snop  }
0x3c: {  	p2 =	seq.s32 s10, $0x1;
	s10 =	sld [smem:$0x3FBA]  }
0x3d: {  	_ =	shalt  }
0x3e: {  	_ =	shalt  }
0x3f: {  	_ =	shalt  }
0x40: {  	_ =	shalt  }
0x41: {  	_ =	shalt  }
0x42: {  	_ =	shalt  }
0x43: {  	_ =	shalt  }
0x44: {  	_ =	shalt  }
0x45: {  	_ =	shalt  }
0x46: {  	_ =	shalt  }
0x47: {  	_ =	shalt  }
0x48: {  	_ =	shalt  }
0x49: {  	_ =	shalt  }
0x4a: {  	_ =	shalt  }
0x4b: {  	_ =	shalt  }
0x4c: {  	_ =	shalt  }
0x4d: {  	_ =	shalt  }
0x4e: {  	_ =	shalt  }
0x4f: {  	_ =	shalt  }
0x50: {  	_ =	shalt  }
0x51: {  	_ =	shalt  }
0x52: {  	_ =	shalt  }
0x53: {  	_ =	shalt  }
0x54: {  	_ =	shalt  }
0x55: {  	_ =	shalt  }
0x56: {  	_ =	shalt  }
0x57: {  	_ =	shalt  }
0x58: {  	_ =	shalt  }
0x59: {  	_ =	shalt  }
0x5a: {  	_ =	shalt  }
0x5b: {  	_ =	shalt  }
0x5c: {  	_ =	shalt  }
0x5d: {  	_ =	shalt  }
0x5e: {  	_ =	shalt  }
0x5f: {  	_ =	shalt  }
0x60: {  	_ =	shalt  }
0x61: {  	_ =	shalt  }
0x62: {  	_ =	shalt  }
0x63: {  	_ =	shalt  }
0x64: {  	_ =	shalt  }
0x65: {  	_ =	shalt  }
0x66: {  	_ =	shalt  }
0x67: {  	_ =	shalt  }
0x68: {  	_ =	shalt  }
0x69: {  	_ =	shalt  }
0x6a: {  	_ =	shalt  }
0x6b: {  	_ =	shalt  }
0x6c: {  	_ =	shalt  }
0x6d: {  	_ =	shalt  }
0x6e: {  	_ =	shalt  }
0x6f: {  	_ =	shalt  }
0x70: {  	_ =	shalt  }
0x71: {  	_ =	shalt  }
0x72: {  	_ =	shalt  }
0x73: {  	_ =	shalt  }
0x74: {  	_ =	shalt  }
0x75: {  	_ =	shalt  }
0x76: {  	_ =	shalt  }
0x77: {  	_ =	shalt  }
0x78: {  	_ =	shalt  }
0x79: {  	_ =	shalt  }
0x7a: {  	_ =	shalt  }
0x7b: {  	_ =	shalt  }
0x7c: {  	_ =	shalt  }
0x7d: {  	_ =	shalt  }
0x7e: {  	_ =	shalt  }
0x7f: {  	_ =	shalt  }
0x80: {  	_ =	shalt  }
0x81: {  	_ =	shalt  }
0x82: {  	_ =	shalt  }
0x83: {  	_ =	shalt  }
0x84: {  	_ =	shalt  }
0x85: {  	_ =	shalt  }
0x86: {  	_ =	shalt  }
0x87: {  	_ =	shalt  }
.Lfunc_end0:
.L_simem_size_0:
called_computation_lowered:
.L_overlay_start_0:
0x88: {  	s2 =	sld [smem:$0x3FD9]  }
0x89: {  	s3 =	sld [smem:$0x3FFE];
	_ =	sdelay $0x1  }
0x8a: {  	s1 =	srdreg.scid  }
0x8b: {  	s0 =	sand.u32 $0x1, s1  }
0x8c: {  	s17 =	sshll.u32 s0, $0xA;
	s2 =	sadd.s32 s3, s2  }
0x8d: {  	s2 =	sadd.s32 s2, s17  }
0x8e: {  	[smem:$0x3FC6] =	sst s2  }
0x8f: {  	_ = 	snop  }
0x90: {  	s2 =	sld [smem:$0x3FC8];
	(tm) =	ssettm $0x1  }
0x91: {  	s18 =	sld [smem:$0x3FFB];
	_ =	sdelay $0x3  }
0x92: {  	_ =	strace s18  }
0x93: {  	s3 =	sld [smem:$0x3FFC];
	_ =	sdelay $0x3  }
0x94: {  	_ =	strace s3  }
0x95: {  	s3 =	sld [smem:$0x3FFD];
	_ =	sdelay $0x3  }
0x96: {  	_ =	strace s3  }
0x97: {  	_ =	strace $0x8FFFFFFF  }
0x98: {  	s19 =	sld [smem:$0x3FDB];
	_ =	sdelay $0x1  }
0x99: {  	s4 =	simm.s32 $_scs_section_size  }
0x9a: {  	s5 =	simm.s32 $_size__tile_overlayer_lowered;
	s6 =	simm.s32 $_tile_overlayer_lowered  }
0x9b: {  	s22 =	simm.s32 $0x1BFF;
	s21 =	sshll.u32 s6, $0x1;
	s3 =	sadd.s32 s4, s19  }
0x9c: {  	s7 =	simm.s32 $0x0;
	s20 =	sshll.u32 s5, $0x1;
	s5 =	sadd.s32 s21, s3  }
0x9d: {  	[timem:s7], [sflag:s22] =	dma.local [hbm:s5], s20  }
0x9e: {  	_ =	swait.ge [sflag:s22], s20  }
0x9f: {  	s4 =	ssub.s32 $0x0, s20;
	[sflag:s22] =	ssyncset.done $0x0  }
0xa0: {  	[sflag:s22] =	ssyncadd.s32 s4;
	_ =	sdelay $0x1  }
0xa1: {  	s23 =	simm.s32 $0x1B8B  }
0xa2: {  	_ =	swait.ge [sflag:s23], $0x1  }
0xa3: {  	[sflag:s23] =	ssyncset.done $0x0  }
0xa4: {  	s25 =	simm.s32 $0x1B8E;
	s24 =	sld [smem:$0x3FFE];
	[sflag:s23] =	ssyncadd.s32 $0xFFFFFFFF  }
0xa5: {  	s26 =	simm.s32 $execute0_lowered;
	[smem:$0x3FD2] =	sst s25  }
0xa6: {  	s5 =	sshll.u32 s26, $0x1;
	_ =	strace $0x80000046;
	[dreg:$0x1] =	wrdreg $0xFFFFFFFF  }
0xa7: {  	s28 =	simm.s32 $_size_execute0_lowered;
	s3 =	sadd.s32 s3, s5;
	[dreg:$0x0] =	wrdreg $0x0  }
0xa8: {  	s5 =	sshll.u32 s28, $0x1;
	[dreg:$0x2] =	wrdreg s3  }
0xa9: {  	[dreg:$0x3] =	wrdreg s5  }
0xaa: {  	[dreg:$0x4] =	wrdreg $0xC0  }
0xab: {  	_ =	task [dreg:s7], $0x5FFFF  }
0xac: {  	[dreg:$0x1] =	wrdreg $0xFFFFFFFF  }
0xad: {  	[dreg:$0x0] =	wrdreg $0x60  }
0xae: {  	[dreg:$0x2] =	wrdreg s24  }
0xaf: {  	[dreg:$0x3] =	wrdreg s2  }
0xb0: {  	[dreg:$0x4] =	wrdreg $0x9  }
0xb1: {  	_ =	task.clear_ibuf [dreg:s7], $0x5FFFF;
	_ =	strace $0x90000046  }
0xb2: {  	s29 =	simm.s32 $0x9;
	_ =	strace $0x80000048  }
0xb3: {  	_ =	swait.ge [sflag:s29], $0x1  }
0xb4: {  	[sflag:s29] =	ssyncadd.s32 $0xFFFFFFFF  }
0xb5: {  	_ =	strace $0x90000048  }
0xb6: {  	_ =	sfence  }
0xb7: {  	s30 =	sld [smem:$0x0];
	_ =	sdelay $0x2  }
0xb8: {  	s31 =	sshll.u32 s1, $0xD;
	s1 =	sshrl.u32 s1, $0x2  }
0xb9: {  	s3 =	sand.u32 $0x4000, s31;
	s1 =	sadd.s32 s1, s30  }
0xba: {  	s0 =	sor.u32 s3, s0;
	s1 =	sshll.u32 s1, $0x11  }
0xbb: {  	s0 =	sor.u32 s1, s0  }
0xbc: {  	s0 =	sadd.s32 $0x8F2B, s0  }
0xbd: {  	[sflag:s0] =	ssyncadd.remote.s32 $0x1  }
0xbe: {  	_ =	sfence.sel $0xFFFF  }
0xbf: {  	[dreg:$0x0] =	wrdreg $0xFFFFFFFF;
	(pc) =	sbr.abs _section_cstart, $3  }
0xc0: {  	[dreg:$0x1] =	wrdreg $0xFFFFFFFF  }
0xc1: {  	_ =	task.clear_ibuf [dreg:s7], $0x2FFFF;
	_ =	strace $0x9FFFFFFF  }
0xc2: {  	(tm) =	ssettm $0x7FFFFFFF  }
0xc3: {  	_ =	shalt  }
tec
execute0_lowered:
.L_overlay_start_1:
0x0: {  	(tag) =	ssettag $0x1  }
0x1: {  	s1 =	srdreg.scid;
	s0 =	stileid.u32  }
0x2: {  	s18 =	sand.u32 $0x1, s1;
	s31 =	sshll.u32 s0, $0x1  }
0x3: {  	s17 =	rddreg [dreg:$0x0];
	s19 =	sor.u32 s18, s31  }
0x4: {  	s2 =	rddreg [dreg:$0x1];
	s3 =	simm.s32 $0x0;
	s4 =	sshll.u32 s19, $0x6  }
0x5: {  	[smem:$0x7FF] =	sst s3;
	s9 =	sadd.s32 s4, s17  }
0x6: {  	s1 =	rddreg [dreg:$0x2];
	_ =	strace $0x80000047;
	s4 =	sadd.s32 $0xC00, s9  }
0x7: {  	[tilespmem:s3], [sflag:$0x1] =	stream.linear.gather [hbm4b:s4+s3], $0x80, $0x38;
	[tilespmem:$0x480] =	vst v63  }
0x8: {  	s6 =	simm.s32 $0x80;
	s5 =	sadd.s32 $0xC10, s9  }
0x9: {  	[tilespmem:s6], [sflag:$0x1] =	stream.linear.gather [hbm4b:s5+s3], $0x80, $0x38;
	[tilespmem:$0x480] =	vst v63  }
0xa: {  	s8 =	simm.s32 $0x100;
	s7 =	sadd.s32 $0xC20, s9  }
0xb: {  	[tilespmem:s8], [sflag:$0x1] =	stream.linear.gather [hbm4b:s7+s3], $0x80, $0x38;
	[tilespmem:$0x480] =	vst v63  }
0xc: {  	s10 =	simm.s32 $0x180;
	s9 =	sadd.s32 $0xC30, s9  }
0xd: {  	v0 =	vimm.f32 $0.0e+00;
	[tilespmem:s10], [sflag:$0x1] =	stream.linear.gather [hbm4b:s9+s3], $0x80, $0x38;
	[tilespmem:$0x480] =	vst v63  }
0xe: {  	s11 =	simm.s32 $0x1;
	[tilespmem:$0x400] =	vst v0  }
0xf: {  	_ =	swait.ge [sflag:s11], $0x80  }
0x10: {  	[sflag:s11] =	ssyncset.done $0x0  }
0x11: {  	s12 =	simm.s32 $0x200;
	[sflag:s11] =	ssyncadd.s32 $0xFFFFFF80  }
0x12: {  	[tilespmem:s12], [sflag:$0x2] =	stream.indirect.gather [hbm4b:s2+s6], $0x1, s3, s6, $0xb8;
	[tilespmem:$0x480] =	vst v63  }
0x13: {  	_ =	swait.ge [sflag:s11], $0x80  }
0x14: {  	[sflag:s11] =	ssyncset.done $0x0  }
0x15: {  	s13 =	simm.s32 $0x280;
	[sflag:s11] =	ssyncadd.s32 $0xFFFFFF80  }
0x16: {  	[tilespmem:s13], [sflag:$0x2] =	stream.indirect.gather [hbm4b:s2+s6], $0x1, s6, s6, $0xb8;
	[tilespmem:$0x480] =	vst v63  }
0x17: {  	_ =	swait.ge [sflag:s11], $0x80  }
0x18: {  	[sflag:s11] =	ssyncset.done $0x0  }
0x19: {  	s14 =	simm.s32 $0x300;
	[sflag:s11] =	ssyncadd.s32 $0xFFFFFF80  }
0x1a: {  	[tilespmem:s14], [sflag:$0x2] =	stream.indirect.gather [hbm4b:s2+s6], $0x1, s8, s6, $0xb8;
	[tilespmem:$0x480] =	vst v63  }
0x1b: {  	_ =	swait.ge [sflag:s11], $0x80  }
0x1c: {  	[sflag:s11] =	ssyncset.done $0x0  }
0x1d: {  	s15 =	simm.s32 $0x380;
	s16 =	simm.s32 $0x2;
	[sflag:s11] =	ssyncadd.s32 $0xFFFFFF80  }
0x1e: {  	[tilespmem:s15], [sflag:$0x2] =	stream.indirect.gather [hbm4b:s2+s6], $0x1, s10, s6, $0xb8;
	[tilespmem:$0x480] =	vst v63  }
0x1f: {  	_ =	swait.ge [sflag:s16], $0x80  }
0x20: {  	[sflag:s16] =	ssyncset.done $0x0  }
0x21: {  	[sflag:s16] =	ssyncadd.s32 $0xFFFFFF80  }
0x22: {  	v1 =	vld [tilespmem:$0x400]  }
0x23: {  	v2 =	vld [tilespmem:$0x200];
	_ =	sdelay $0x1  }
0x24: {  	v3 =	vld [tilespmem:$0x210];
	_ =	sdelay $0x1  }
0x25: {  	v4 =	vld [tilespmem:$0x220]  }
0x26: {  	v1 =	vadd.f32 v2, v1  }
0x27: {  	v2 =	vld [tilespmem:$0x230]  }
0x28: {  	v3 =	vadd.f32 v3, v1  }
0x29: {  	v5 =	vld [tilespmem:$0x240]  }
0x2a: {  	v4 =	vadd.f32 v4, v3  }
0x2b: {  	v6 =	vld [tilespmem:$0x250]  }
0x2c: {  	v2 =	vadd.f32 v2, v4  }
0x2d: {  	v7 =	vld [tilespmem:$0x260]  }
0x2e: {  	v5 =	vadd.f32 v5, v2  }
0x2f: {  	v8 =	vld [tilespmem:$0x270];
	[tilespmem:$0x400] =	vst v1  }
0x30: {  	[tilespmem:$0x400] =	vst v3;
	v1 =	vadd.f32 v6, v5  }
0x31: {  	[tilespmem:$0x400] =	vst v4  }
0x32: {  	[tilespmem:$0x400] =	vst v2;
	v2 =	vadd.f32 v7, v1  }
0x33: {  	[tilespmem:$0x400] =	vst v5  }
0x34: {  	[tilespmem:$0x400] =	vst v1;
	v1 =	vadd.f32 v8, v2  }
0x35: {  	[tilespmem:$0x400] =	vst v2  }
0x36: {  	[tilespmem:$0x400] =	vst v1  }
0x37: {  	_ =	swait.ge [sflag:s16], $0x80  }
0x38: {  	[sflag:s16] =	ssyncset.done $0x0  }
0x39: {  	[sflag:s16] =	ssyncadd.s32 $0xFFFFFF80  }
0x3a: {  	v2 =	vld [tilespmem:$0x280];
	_ =	sdelay $0x1  }
0x3b: {  	v3 =	vld [tilespmem:$0x290];
	_ =	sdelay $0x1  }
0x3c: {  	v50 =	vld [tilespmem:$0x2A0]  }
0x3d: {  	v1 =	vadd.f32 v2, v1  }
0x3e: {  	v2 =	vld [tilespmem:$0x2B0]  }
0x3f: {  	v3 =	vadd.f32 v3, v1  }
0x40: {  	v51 =	vld [tilespmem:$0x2C0]  }
0x41: {  	v4 =	vadd.f32 v50, v3  }
0x42: {  	v52 =	vld [tilespmem:$0x2D0]  }
0x43: {  	v2 =	vadd.f32 v2, v4  }
0x44: {  	v53 =	vld [tilespmem:$0x2E0]  }
0x45: {  	v5 =	vadd.f32 v51, v2  }
0x46: {  	v54 =	vld [tilespmem:$0x2F0];
	[tilespmem:$0x400] =	vst v1  }
0x47: {  	[tilespmem:$0x400] =	vst v3;
	v1 =	vadd.f32 v52, v5  }
0x48: {  	[tilespmem:$0x400] =	vst v4  }
0x49: {  	[tilespmem:$0x400] =	vst v2;
	v2 =	vadd.f32 v53, v1  }
0x4a: {  	[tilespmem:$0x400] =	vst v5  }
0x4b: {  	[tilespmem:$0x400] =	vst v1;
	v1 =	vadd.f32 v54, v2  }
0x4c: {  	[tilespmem:$0x400] =	vst v2  }
0x4d: {  	[tilespmem:$0x400] =	vst v1  }
0x4e: {  	_ =	swait.ge [sflag:s16], $0x80  }
0x4f: {  	[sflag:s16] =	ssyncset.done $0x0  }
0x50: {  	[sflag:s16] =	ssyncadd.s32 $0xFFFFFF80  }
0x51: {  	v2 =	vld [tilespmem:$0x300];
	_ =	sdelay $0x1  }
0x52: {  	v3 =	vld [tilespmem:$0x310];
	_ =	sdelay $0x1  }
0x53: {  	v55 =	vld [tilespmem:$0x320]  }
0x54: {  	v1 =	vadd.f32 v2, v1  }
0x55: {  	v2 =	vld [tilespmem:$0x330]  }
0x56: {  	v3 =	vadd.f32 v3, v1  }
0x57: {  	v56 =	vld [tilespmem:$0x340]  }
0x58: {  	v4 =	vadd.f32 v55, v3  }
0x59: {  	v57 =	vld [tilespmem:$0x350]  }
0x5a: {  	v2 =	vadd.f32 v2, v4  }
0x5b: {  	v58 =	vld [tilespmem:$0x360]  }
0x5c: {  	v5 =	vadd.f32 v56, v2  }
0x5d: {  	v59 =	vld [tilespmem:$0x370];
	[tilespmem:$0x400] =	vst v1  }
0x5e: {  	[tilespmem:$0x400] =	vst v3;
	v1 =	vadd.f32 v57, v5  }
0x5f: {  	[tilespmem:$0x400] =	vst v4  }
0x60: {  	[tilespmem:$0x400] =	vst v2;
	v2 =	vadd.f32 v58, v1  }
0x61: {  	[tilespmem:$0x400] =	vst v5  }
0x62: {  	[tilespmem:$0x400] =	vst v1;
	v1 =	vadd.f32 v59, v2  }
0x63: {  	[tilespmem:$0x400] =	vst v2  }
0x64: {  	[tilespmem:$0x400] =	vst v1  }
0x65: {  	_ =	swait.ge [sflag:s16], $0x80  }
0x66: {  	[sflag:s16] =	ssyncset.done $0x0  }
0x67: {  	[sflag:s16] =	ssyncadd.s32 $0xFFFFFF80  }
0x68: {  	v2 =	vld [tilespmem:$0x380];
	_ =	sdelay $0x1  }
0x69: {  	v3 =	vld [tilespmem:$0x390];
	_ =	sdelay $0x1  }
0x6a: {  	v60 =	vld [tilespmem:$0x3A0]  }
0x6b: {  	v1 =	vadd.f32 v2, v1  }
0x6c: {  	v2 =	vld [tilespmem:$0x3B0]  }
0x6d: {  	v3 =	vadd.f32 v3, v1  }
0x6e: {  	v61 =	vld [tilespmem:$0x3C0]  }
0x6f: {  	v4 =	vadd.f32 v60, v3  }
0x70: {  	v62 =	vld [tilespmem:$0x3D0]  }
0x71: {  	v2 =	vadd.f32 v2, v4  }
0x72: {  	v63 =	vld [tilespmem:$0x3E0]  }
0x73: {  	v5 =	vadd.f32 v61, v2  }
0x74: {  	s18 =	ssub.s32 $0x2, s18;
	[tilespmem:$0x400] =	vst v1;
	v1 =	vld [tilespmem:$0x3F0]  }
0x75: {  	s20 =	sshrl.u32 s18, $0x1;
	[tilespmem:$0x400] =	vst v3;
	v3 =	vadd.f32 v62, v5  }
0x76: {  	s18 =	ssub.s32 s18, s20;
	[tilespmem:$0x400] =	vst v4  }
0x77: {  	s20 =	smax.u32 s18, $0x1;
	[tilespmem:$0x400] =	vst v2;
	v2 =	vadd.f32 v63, v3  }
0x78: {  	p0 =	sne.s32 s20, $0x1;
	[tilespmem:$0x400] =	vst v5  }
.Ltmp0:
0x79: {  	s19 =	sshll.u32 s19, $0x4;
	[tilespmem:$0x400] =	vst v3;
	v1 =	vadd.f32 v1, v2;
	(pc) =	sbr.rel @!p0 .LBB2_2-.Ltmp0, $4  }
0x7a: {  	s17 =	sadd.s32 s19, s17;
	[tilespmem:$0x400] =	vst v2  }
0x7b: {  	s19 =	simm.s32 $0x3;
	s17 =	sadd.s32 $0x1400, s17;
	s18 =	simm.s32 $0x400;
	[tilespmem:$0x400] =	vst v1  }
0x7c: {  	[hbm4b:s17+s3] =	stream.linear.scatter [tilespmem:s18], [sflag:$0x3], $0x80, $0x38;
	[tilespmem:$0x480] =	vst v63  }
0x7d: {  	s20 =	sadd.s32 $0xFFFFFFFF, s20;
	_ =	swait.ge [sflag:s19], $0x80  }
.LBB2_1:
0x7e: {  	p0 =	sne.s32 s20, $0x1;
	s20 =	sadd.s32 $0xFFFFFFFF, s20;
	[sflag:s19] =	ssyncset.done $0x0  }
0x7f: {  	[sflag:s19] =	ssyncadd.s32 $0xFFFFFF80  }
0x80: {  	[tilespmem:s3], [sflag:$0x1] =	stream.linear.gather [hbm4b:s4+s3], $0x80, $0x38;
	[tilespmem:$0x480] =	vst v63  }
0x81: {  	_ = 	snop  }
0x82: {  	[tilespmem:s6], [sflag:$0x1] =	stream.linear.gather [hbm4b:s5+s3], $0x80, $0x38;
	[tilespmem:$0x480] =	vst v63  }
0x83: {  	_ = 	snop  }
0x84: {  	[tilespmem:s8], [sflag:$0x1] =	stream.linear.gather [hbm4b:s7+s3], $0x80, $0x38;
	[tilespmem:$0x480] =	vst v63  }
0x85: {  	_ = 	snop  }
0x86: {  	[tilespmem:s10], [sflag:$0x1] =	stream.linear.gather [hbm4b:s9+s3], $0x80, $0x38;
	[tilespmem:$0x480] =	vst v63  }
0x87: {  	[tilespmem:$0x400] =	vst v0  }
0x88: {  	_ =	swait.ge [sflag:s11], $0x80  }
0x89: {  	[sflag:s11] =	ssyncset.done $0x0  }
0x8a: {  	[sflag:s11] =	ssyncadd.s32 $0xFFFFFF80  }
0x8b: {  	[tilespmem:s12], [sflag:$0x2] =	stream.indirect.gather [hbm4b:s2+s6], $0x1, s3, s6, $0xb8;
	[tilespmem:$0x480] =	vst v63  }
0x8c: {  	_ =	swait.ge [sflag:s11], $0x80  }
0x8d: {  	[sflag:s11] =	ssyncset.done $0x0  }
0x8e: {  	[sflag:s11] =	ssyncadd.s32 $0xFFFFFF80  }
0x8f: {  	[tilespmem:s13], [sflag:$0x2] =	stream.indirect.gather [hbm4b:s2+s6], $0x1, s6, s6, $0xb8;
	[tilespmem:$0x480] =	vst v63  }
0x90: {  	_ =	swait.ge [sflag:s11], $0x80  }
0x91: {  	[sflag:s11] =	ssyncset.done $0x0  }
0x92: {  	[sflag:s11] =	ssyncadd.s32 $0xFFFFFF80  }
0x93: {  	[tilespmem:s14], [sflag:$0x2] =	stream.indirect.gather [hbm4b:s2+s6], $0x1, s8, s6, $0xb8;
	[tilespmem:$0x480] =	vst v63  }
0x94: {  	_ =	swait.ge [sflag:s11], $0x80  }
0x95: {  	[sflag:s11] =	ssyncset.done $0x0  }
0x96: {  	[sflag:s11] =	ssyncadd.s32 $0xFFFFFF80  }
0x97: {  	[tilespmem:s15], [sflag:$0x2] =	stream.indirect.gather [hbm4b:s2+s6], $0x1, s10, s6, $0xb8;
	[tilespmem:$0x480] =	vst v63  }
0x98: {  	_ =	swait.ge [sflag:s16], $0x80  }
0x99: {  	[sflag:s16] =	ssyncset.done $0x0  }
0x9a: {  	[sflag:s16] =	ssyncadd.s32 $0xFFFFFF80  }
0x9b: {  	v1 =	vld [tilespmem:$0x400]  }
0x9c: {  	v2 =	vld [tilespmem:$0x200]  }
0x9d: {  	v3 =	vld [tilespmem:$0x210]  }
0x9e: {  	v4 =	vld [tilespmem:$0x220]  }
0x9f: {  	v5 =	vld [tilespmem:$0x230]  }
0xa0: {  	v6 =	vld [tilespmem:$0x240]  }
0xa1: {  	v1 =	vadd.f32 v2, v1;
	v2 =	vld [tilespmem:$0x250]  }
0xa2: {  	v7 =	vld [tilespmem:$0x260]  }
0xa3: {  	v3 =	vadd.f32 v3, v1;
	v8 =	vld [tilespmem:$0x270];
	_ =	sdelay $0x1  }
0xa4: {  	v4 =	vadd.f32 v4, v3  }
0xa5: {  	[tilespmem:$0x400] =	vst v1  }
0xa6: {  	[tilespmem:$0x400] =	vst v3;
	v1 =	vadd.f32 v5, v4  }
0xa7: {  	[tilespmem:$0x400] =	vst v4  }
0xa8: {  	[tilespmem:$0x400] =	vst v1;
	v1 =	vadd.f32 v6, v1;
	_ =	sdelay $0x1  }
0xa9: {  	[tilespmem:$0x400] =	vst v1;
	v1 =	vadd.f32 v2, v1;
	_ =	sdelay $0x1  }
0xaa: {  	[tilespmem:$0x400] =	vst v1;
	v1 =	vadd.f32 v7, v1;
	_ =	sdelay $0x1  }
0xab: {  	[tilespmem:$0x400] =	vst v1;
	v1 =	vadd.f32 v8, v1;
	_ =	sdelay $0x1  }
0xac: {  	[tilespmem:$0x400] =	vst v1  }
0xad: {  	_ =	swait.ge [sflag:s16], $0x80  }
0xae: {  	[sflag:s16] =	ssyncset.done $0x0  }
0xaf: {  	[sflag:s16] =	ssyncadd.s32 $0xFFFFFF80  }
0xb0: {  	v2 =	vld [tilespmem:$0x280]  }
0xb1: {  	v3 =	vld [tilespmem:$0x290]  }
0xb2: {  	v4 =	vld [tilespmem:$0x2A0]  }
0xb3: {  	v5 =	vld [tilespmem:$0x2B0]  }
0xb4: {  	v6 =	vld [tilespmem:$0x2C0]  }
0xb5: {  	v1 =	vadd.f32 v2, v1;
	v2 =	vld [tilespmem:$0x2D0]  }
0xb6: {  	v7 =	vld [tilespmem:$0x2E0]  }
0xb7: {  	v3 =	vadd.f32 v3, v1;
	v8 =	vld [tilespmem:$0x2F0];
	_ =	sdelay $0x1  }
0xb8: {  	v4 =	vadd.f32 v4, v3;
	_ =	sdelay $0x1  }
0xb9: {  	[tilespmem:$0x400] =	vst v1;
	v1 =	vadd.f32 v5, v4  }
0xba: {  	[tilespmem:$0x400] =	vst v3  }
0xbb: {  	[tilespmem:$0x400] =	vst v4;
	v3 =	vadd.f32 v6, v1  }
0xbc: {  	[tilespmem:$0x400] =	vst v1  }
0xbd: {  	[tilespmem:$0x400] =	vst v3;
	v1 =	vadd.f32 v2, v3;
	_ =	sdelay $0x1  }
0xbe: {  	[tilespmem:$0x400] =	vst v1;
	v1 =	vadd.f32 v7, v1;
	_ =	sdelay $0x1  }
0xbf: {  	[tilespmem:$0x400] =	vst v1;
	v1 =	vadd.f32 v8, v1;
	_ =	sdelay $0x1  }
0xc0: {  	[tilespmem:$0x400] =	vst v1  }
0xc1: {  	_ =	swait.ge [sflag:s16], $0x80  }
0xc2: {  	[sflag:s16] =	ssyncset.done $0x0  }
0xc3: {  	[sflag:s16] =	ssyncadd.s32 $0xFFFFFF80  }
0xc4: {  	v2 =	vld [tilespmem:$0x300]  }
0xc5: {  	v3 =	vld [tilespmem:$0x310]  }
0xc6: {  	v4 =	vld [tilespmem:$0x320]  }
0xc7: {  	v5 =	vld [tilespmem:$0x330]  }
0xc8: {  	v6 =	vld [tilespmem:$0x340]  }
0xc9: {  	v1 =	vadd.f32 v2, v1;
	v2 =	vld [tilespmem:$0x350]  }
0xca: {  	v7 =	vld [tilespmem:$0x360]  }
0xcb: {  	v3 =	vadd.f32 v3, v1;
	v8 =	vld [tilespmem:$0x370];
	_ =	sdelay $0x1  }
0xcc: {  	v4 =	vadd.f32 v4, v3;
	_ =	sdelay $0x1  }
0xcd: {  	[tilespmem:$0x400] =	vst v1;
	v1 =	vadd.f32 v5, v4  }
0xce: {  	[tilespmem:$0x400] =	vst v3  }
0xcf: {  	[tilespmem:$0x400] =	vst v4;
	v3 =	vadd.f32 v6, v1  }
0xd0: {  	[tilespmem:$0x400] =	vst v1  }
0xd1: {  	[tilespmem:$0x400] =	vst v3;
	v1 =	vadd.f32 v2, v3;
	_ =	sdelay $0x1  }
0xd2: {  	[tilespmem:$0x400] =	vst v1;
	v1 =	vadd.f32 v7, v1;
	_ =	sdelay $0x1  }
0xd3: {  	[tilespmem:$0x400] =	vst v1;
	v1 =	vadd.f32 v8, v1;
	_ =	sdelay $0x1  }
0xd4: {  	[tilespmem:$0x400] =	vst v1  }
0xd5: {  	_ =	swait.ge [sflag:s16], $0x80  }
0xd6: {  	[sflag:s16] =	ssyncset.done $0x0  }
0xd7: {  	[sflag:s16] =	ssyncadd.s32 $0xFFFFFF80  }
0xd8: {  	v2 =	vld [tilespmem:$0x380]  }
0xd9: {  	v3 =	vld [tilespmem:$0x390];
	_ =	sdelay $0x1  }
0xda: {  	v4 =	vld [tilespmem:$0x3A0];
	_ =	sdelay $0x1  }
0xdb: {  	v1 =	vadd.f32 v2, v1;
	v2 =	vld [tilespmem:$0x3B0];
	_ =	sdelay $0x1  }
0xdc: {  	v3 =	vadd.f32 v3, v1;
	v5 =	vld [tilespmem:$0x3C0];
	_ =	sdelay $0x1  }
0xdd: {  	v4 =	vadd.f32 v4, v3;
	v6 =	vld [tilespmem:$0x3D0];
	_ =	sdelay $0x1  }
0xde: {  	v2 =	vadd.f32 v2, v4;
	v7 =	vld [tilespmem:$0x3E0]  }
0xdf: {  	[tilespmem:$0x400] =	vst v1  }
0xe0: {  	[tilespmem:$0x400] =	vst v3;
	v1 =	vadd.f32 v5, v2;
	v3 =	vld [tilespmem:$0x3F0]  }
0xe1: {  	[tilespmem:$0x400] =	vst v4  }
0xe2: {  	[tilespmem:$0x400] =	vst v2;
	v2 =	vadd.f32 v6, v1  }
0xe3: {  	[tilespmem:$0x400] =	vst v1  }
0xe4: {  	[tilespmem:$0x400] =	vst v2;
	v1 =	vadd.f32 v7, v2;
	_ =	sdelay $0x1  }
.Ltmp1:
0xe5: {  	[tilespmem:$0x400] =	vst v1;
	v1 =	vadd.f32 v3, v1;
	(pc) =	sbr.rel @p0 .LBB2_1-.Ltmp1, $4  }
0xe6: {  	_ = 	snop  }
0xe7: {  	[tilespmem:$0x400] =	vst v1  }
0xe8: {  	[hbm4b:s17+s3] =	stream.linear.scatter [tilespmem:s18], [sflag:$0x3], $0x80, $0x38;
	[tilespmem:$0x480] =	vst v63  }
0xe9: {  	_ =	swait.ge [sflag:s19], $0x80  }
.LBB2_2:
0xea: {  	[sflag:s19] =	ssyncset.done $0x0  }
0xeb: {  	[sflag:s19] =	ssyncadd.s32 $0xFFFFFF80  }
0xec: {  	_ =	sfence.sel $0x180000  }
0xed: {  	[bflag:$0x0] =	sbarrier.arrive $0xFFFF  }
0xee: {  	p0 =	sne.s32 s0, $0x0;
	_ =	strace $0x90000047  }
0xef: {  	s0 =	sadd.s32 @!p0 $0x100000, s1;
	[bflag:$0x2] =	sbarrier.arrive $0xFFFF  }
0xf0: {  	[sflag:s0] =	ssyncadd.tile.s32 @!p0 $0x1;
	_ =	shalt  }
.Lfunc_end2:
_tile_overlayer_lowered:
.L_overlay_start_2:
0xf1: {  	(tag) =	ssettag $0x2  }
0xf2: {  	s0 =	rddreg [dreg:$0x0];
	s2 =	stileid.u32  }
0xf3: {  	s1 =	rddreg [dreg:$0x1];
	p0 =	sne.s32 s2, $0x0  }
0xf4: {  	s3 =	rddreg [dreg:$0x2];
	[bflag:$0x3] =	sbarrier.arrive $0xFFFF;
	s2 =	simm.s32 @!p0 $0x1C03  }
0xf5: {  	[timem:s3], [sflag:s2] =	dma.local @!p0 [hbm:s0], s1  }
0xf6: {  	s0 =	simm.s32 @!p0 $0x3  }
0xf7: {  	_ =	swait.ge @!p0 [sflag:s0], s1  }
0xf8: {  	s1 =	ssub.s32 @!p0 $0x0, s1;
	[sflag:s0] =	ssyncset.done @!p0 $0x0  }
0xf9: {  	[sflag:s0] =	ssyncadd.s32 @!p0 s1  }
0xfa: {  	[bflag:$0x3] =	sbarrier.arrive $0xFFFF  }
0xfb: {  	_ =	shalt  }

</sc_bundles>
